<compile_context>
chip_gen: v7x
topology: tpu7x:2x2x1
jax: 0.10.2.dev20260603
libtpu: 0.0.44.dev20260713+nightly
codegen_flags: <defaults>
</compile_context>

<pallas_src>
import functools

import jax
import jax.numpy as jnp
from jax import lax
from jax.experimental import pallas as pl
from jax.experimental.pallas import tpu as pltpu
from jax.experimental.pallas import tpu_sc as plsc

N_NODES = 10000
N_EDGES = 320000
IN_C = 128
HID_C = 128
OUT_C = 64

N_PAD = 10240



def _make_deg_kernel(nc, ns, iters, k):
    nw = nc * ns
    rpt = N_PAD // ns
    mesh = plsc.VectorSubcoreMesh(
        core_axis_name="c", subcore_axis_name="s", num_cores=nc)

    @functools.partial(
        pl.kernel,
        out_type=jax.ShapeDtypeStruct((nc, N_PAD), jnp.float32),
        mesh=mesh,
        scratch_types=[
            pltpu.VMEM((iters, k), jnp.int32),
            pltpu.VMEM((k,), jnp.float32),
            pltpu.VMEM_SHARED((N_PAD,), jnp.float32),
        ],
    )
    def deg_kernel(ei_hbm, ones_hbm, zeros_hbm, out_hbm, didx, ones_v, acc):
        cid = lax.axis_index("c")
        sid = lax.axis_index("s")
        wid = cid * ns + sid
        pltpu.sync_copy(zeros_hbm.at[pl.ds(sid * rpt, rpt)],
                        acc.at[pl.ds(sid * rpt, rpt)])
        pltpu.sync_copy(ei_hbm.at[nw + wid], didx)
        pltpu.sync_copy(ones_hbm, ones_v)
        plsc.subcore_barrier()

        def body(i, carry):
            pltpu.sync_copy(ones_v, acc.at[didx.at[i]], add=True)
            return carry

        lax.fori_loop(0, iters, body, 0)
        plsc.subcore_barrier()
        pltpu.sync_copy(acc.at[pl.ds(sid * rpt, rpt)],
                        out_hbm.at[cid, pl.ds(sid * rpt, rpt)])

    return deg_kernel


def _make_agg_kernel(c, nc, ns, iters, k):
    nw = nc * ns
    rpt = N_PAD // ns
    mesh = plsc.VectorSubcoreMesh(
        core_axis_name="c", subcore_axis_name="s", num_cores=nc)

    @functools.partial(
        pl.kernel,
        out_type=jax.ShapeDtypeStruct((nc, N_PAD, c), jnp.float32),
        mesh=mesh,
        scratch_types=[
            pltpu.VMEM((iters, k), jnp.int32),
            pltpu.VMEM((iters, k), jnp.int32),
            [pltpu.VMEM((k, c), jnp.float32)] * 4,
            [pltpu.SemaphoreType.DMA] * 4,
            [pltpu.SemaphoreType.DMA] * 4,
            pltpu.VMEM_SHARED((N_PAD, c), jnp.float32),
        ],
        compiler_params=pltpu.CompilerParams(use_tc_tiling_on_sc=False),
    )
    def agg_kernel(g_hbm, ei_hbm, zeros_hbm, out_hbm,
                   sidx, didx, rows, gsems, ssems, acc):
        cid = lax.axis_index("c")
        sid = lax.axis_index("s")
        wid = cid * ns + sid
        pltpu.sync_copy(zeros_hbm.at[pl.ds(sid * rpt, rpt)],
                        acc.at[pl.ds(sid * rpt, rpt)])
        pltpu.sync_copy(ei_hbm.at[wid], sidx)
        pltpu.sync_copy(ei_hbm.at[nw + wid], didx)
        plsc.subcore_barrier()

        def gather(j, t):
            pltpu.async_copy(g_hbm.at[sidx.at[j]], rows[t], gsems[t])

        def gather_wait(j, t):
            pltpu.make_async_copy(g_hbm.at[sidx.at[j]], rows[t],
                                  gsems[t]).wait()

        def scatter(j, t):
            pltpu.async_copy(rows[t], acc.at[didx.at[j]], ssems[t], add=True)

        def scatter_wait(j, t):
            pltpu.make_async_copy(rows[t], acc.at[didx.at[j]],
                                  ssems[t]).wait()

        gather(0, 0)
        gather(1, 1)

        def body(q, carry):
            for t in range(4):
                j = 4 * q + t
                tn = (t + 2) % 4

                @pl.when(jnp.logical_and(j >= 2, j + 2 < iters))
                def _(j=j, tn=tn):
                    scatter_wait(j - 2, tn)

                @pl.when(j + 2 < iters)
                def _(j=j, tn=tn):
                    gather(j + 2, tn)

                gather_wait(j, t)
                scatter(j, t)
            return carry

        lax.fori_loop(0, iters // 4, body, 0)
        for t in range(4):
            scatter_wait(iters - 4 + t, (iters - 4 + t) % 4)
        plsc.subcore_barrier()
        pltpu.sync_copy(acc.at[pl.ds(sid * rpt, rpt)],
                        out_hbm.at[cid, pl.ds(sid * rpt, rpt)])

    return agg_kernel



_ROWS = 2000


def _tc1_body(x_ref, w_ref, deg_ref, g_ref):
    dinv = lax.rsqrt(deg_ref[...])
    g_ref[...] = jnp.dot(x_ref[...], w_ref[...],
                         preferred_element_type=jnp.float32) * dinv


def _tc2_body(agg_ref, g1_ref, deg_ref, b_ref, w_ref, g2_ref):
    dinv = lax.rsqrt(deg_ref[...])
    s = agg_ref[0] + agg_ref[1] + g1_ref[...]
    u = jnp.maximum(s * dinv + b_ref[...], 0.0)
    g2_ref[...] = jnp.dot(u, w_ref[...],
                          preferred_element_type=jnp.float32) * dinv


def _tc3_body(agg_ref, g2_ref, deg_ref, b_ref, z_ref):
    dinv = lax.rsqrt(deg_ref[...])
    s = agg_ref[0] + agg_ref[1] + g2_ref[...]
    z_ref[...] = jnp.maximum(s * dinv + b_ref[...], 0.0)


def _tc1(x, w1, deg2d):
    grid = (N_NODES // _ROWS,)
    return pl.pallas_call(
        _tc1_body,
        grid=grid,
        in_specs=[
            pl.BlockSpec((_ROWS, IN_C), lambda i: (i, 0)),
            pl.BlockSpec((IN_C, HID_C), lambda i: (0, 0)),
            pl.BlockSpec((_ROWS, 1), lambda i: (i, 0)),
        ],
        out_specs=pl.BlockSpec((_ROWS, HID_C), lambda i: (i, 0)),
        out_shape=jax.ShapeDtypeStruct((N_NODES, HID_C), jnp.float32),
    )(x, w1, deg2d)


def _tc2(agg1, g1, deg2d, b1_2d, w2, nc):
    grid = (N_NODES // _ROWS,)
    return pl.pallas_call(
        _tc2_body,
        grid=grid,
        in_specs=[
            pl.BlockSpec((nc, _ROWS, HID_C), lambda i: (0, i, 0)),
            pl.BlockSpec((_ROWS, HID_C), lambda i: (i, 0)),
            pl.BlockSpec((_ROWS, 1), lambda i: (i, 0)),
            pl.BlockSpec((1, HID_C), lambda i: (0, 0)),
            pl.BlockSpec((HID_C, OUT_C), lambda i: (0, 0)),
        ],
        out_specs=pl.BlockSpec((_ROWS, OUT_C), lambda i: (i, 0)),
        out_shape=jax.ShapeDtypeStruct((N_NODES, OUT_C), jnp.float32),
    )(agg1, g1, deg2d, b1_2d, w2)


def _tc3(agg2, g2, deg2d, b2_2d, nc):
    grid = (N_NODES // _ROWS,)
    return pl.pallas_call(
        _tc3_body,
        grid=grid,
        in_specs=[
            pl.BlockSpec((nc, _ROWS, OUT_C), lambda i: (0, i, 0)),
            pl.BlockSpec((_ROWS, OUT_C), lambda i: (i, 0)),
            pl.BlockSpec((_ROWS, 1), lambda i: (i, 0)),
            pl.BlockSpec((1, OUT_C), lambda i: (0, 0)),
        ],
        out_specs=pl.BlockSpec((_ROWS, OUT_C), lambda i: (i, 0)),
        out_shape=jax.ShapeDtypeStruct((N_NODES, OUT_C), jnp.float32),
    )(agg2, g2, deg2d, b2_2d)



def kernel(x, edge_index, W1, b1, W2, b2):
    info = plsc.get_sparse_core_info()
    nc, ns = info.num_cores, info.num_subcores
    nw = nc * ns
    epw = N_EDGES // nw
    k_h = 50
    k_o = 125
    it_h = epw // k_h
    it_o = epw // k_o

    ei = edge_index.astype(jnp.int32)
    ei_h = ei.reshape(2 * nw, it_h, k_h)
    ei_o = ei.reshape(2 * nw, it_o, k_o)

    ones_k = jnp.ones((k_o,), jnp.float32)
    zeros_1 = jnp.zeros((N_PAD,), jnp.float32)
    zeros_h = jnp.zeros((N_PAD, HID_C), jnp.float32)
    zeros_o = jnp.zeros((N_PAD, OUT_C), jnp.float32)

    degp = _make_deg_kernel(nc, ns, it_o, k_o)(ei_o, ones_k, zeros_1)
    deg2d = (degp[:, :N_NODES].sum(axis=0) + 1.0).reshape(N_NODES, 1)

    g1 = _tc1(x, W1, deg2d)
    agg1 = _make_agg_kernel(HID_C, nc, ns, it_h, k_h)(g1, ei_h, zeros_h)
    g2 = _tc2(agg1, g1, deg2d, b1.reshape(1, HID_C), W2, nc)
    agg2 = _make_agg_kernel(OUT_C, nc, ns, it_o, k_o)(g2, ei_o, zeros_o)
    z = _tc3(agg2, g2, deg2d, b2.reshape(1, OUT_C), nc)
    return z

# --- scband reference (transcript-rebuilt; emitter-appended) ---
"""Pipeline reference for scband-gae-6201932775427 (READ-ONLY COPY).

The authoritative reference and input builder live on the scoring server;
editing this copy changes nothing except your own understanding.
"""

import jax, jax.numpy as jnp
import numpy as np

N_NODES = 10000
N_EDGES = 320000
IN_C = 128
HID_C = 128
OUT_C = 64


def setup_inputs(seed: int = 0) -> dict:
    key = jax.random.key(seed)
    k1, k2, k3, k4, k5, k6 = jax.random.split(key, 6)
    x = jax.random.normal(k1, (N_NODES, IN_C), dtype=jnp.float32)
    edge_index = jax.random.randint(k2, (2, N_EDGES), 0, N_NODES, dtype=jnp.int64)
    # Glorot-style init for GCN weights, zeros for biases (PyG default)
    W1 = jax.random.normal(k3, (IN_C, HID_C), dtype=jnp.float32) * (1.0 / np.sqrt(IN_C))
    b1 = jnp.zeros((HID_C,), dtype=jnp.float32)
    W2 = jax.random.normal(k4, (HID_C, OUT_C), dtype=jnp.float32) * (1.0 / np.sqrt(HID_C))
    b2 = jnp.zeros((OUT_C,), dtype=jnp.float32)
    return {"x": x, "edge_index": edge_index, "W1": W1, "b1": b1, "W2": W2, "b2": b2}


def gcn_conv(x, edge_index, W, b, num_nodes):
    # PyG GCNConv: add self-loops, symmetric normalization, linear, scatter-add, bias
    src = edge_index[0]
    dst = edge_index[1]
    loop = jnp.arange(num_nodes, dtype=src.dtype)
    src = jnp.concatenate([src, loop])
    dst = jnp.concatenate([dst, loop])
    deg = jnp.zeros((num_nodes,), dtype=x.dtype).at[dst].add(1.0)
    deg_inv_sqrt = jnp.where(deg > 0, 1.0 / jnp.sqrt(deg), 0.0)
    norm = deg_inv_sqrt[src] * deg_inv_sqrt[dst]
    h = x @ W
    msg = h[src] * norm[:, None]
    out = jnp.zeros((num_nodes, W.shape[1]), dtype=x.dtype).at[dst].add(msg)
    return out + b


def reference(x, edge_index, W1, b1, W2, b2):
    # GAE.forward: z = encode(x, edge_index) with ReLU after each conv
    h = gcn_conv(x, edge_index, W1, b1, N_NODES)
    h = jax.nn.relu(h)
    z = gcn_conv(h, edge_index, W2, b2, N_NODES)
    z = jax.nn.relu(z)
    return z

if __name__ == "__main__":
    import jax
    _d = setup_inputs()
    print(jax.jit(kernel)(*tuple(_d.values())))

</pallas_src>

<mosaic_0001>
#map = affine_map<(d0, d1) -> (0, 0)>
#map1 = affine_map<(d0, d1) -> (0, 0, 0)>
module attributes {stable_mosaic.version = 14 : i64} {
  func.func @agg_kernel(%arg0: i32, %arg1: i32, %arg2: memref<10000x128xf32, #tpu.memory_space<hbm>>, %arg3: memref<64x200x50xi32, #tpu.memory_space<hbm>>, %arg4: memref<10240x128xf32, #tpu.memory_space<hbm>>, %arg5: memref<2x10240x128xf32, #tpu.memory_space<hbm>>, %arg6: memref<200x50xi32, #tpu.memory_space<vmem>>, %arg7: memref<200x50xi32, #tpu.memory_space<vmem>>, %arg8: memref<50x128xf32, #tpu.memory_space<vmem>>, %arg9: memref<50x128xf32, #tpu.memory_space<vmem>>, %arg10: memref<50x128xf32, #tpu.memory_space<vmem>>, %arg11: memref<50x128xf32, #tpu.memory_space<vmem>>, %arg12: memref<!tpu.dma_semaphore, #tpu.memory_space<semaphore_mem>>, %arg13: memref<!tpu.dma_semaphore, #tpu.memory_space<semaphore_mem>>, %arg14: memref<!tpu.dma_semaphore, #tpu.memory_space<semaphore_mem>>, %arg15: memref<!tpu.dma_semaphore, #tpu.memory_space<semaphore_mem>>, %arg16: memref<!tpu.dma_semaphore, #tpu.memory_space<semaphore_mem>>, %arg17: memref<!tpu.dma_semaphore, #tpu.memory_space<semaphore_mem>>, %arg18: memref<!tpu.dma_semaphore, #tpu.memory_space<semaphore_mem>>, %arg19: memref<!tpu.dma_semaphore, #tpu.memory_space<semaphore_mem>>, %arg20: memref<10240x128xf32, #tpu.memory_space<vmem_shared>>) attributes {dimension_semantics = [#tpu.dimension_semantics<core_parallel>, #tpu.dimension_semantics<subcore_parallel>], iteration_bounds = array<i64: 2, 16>, scalar_prefetch = 0 : i64, scratch_operands = 15 : i64, tpu.core_type = #tpu.core_type<sc_vector_subcore>, window_params = [{transform_indices = #map}, {transform_indices = #map1}, {transform_indices = #map}, {transform_indices = #map1}]} {
    %mul3A = arith.constant 16 : i32
    %mul3A_0 = arith.muli %arg0, %mul3A : i32
    %add3A = arith.addi %mul3A_0, %arg1 : i32
    %mul3A_1 = arith.constant 640 : i32
    %mul3A_2 = arith.muli %arg1, %mul3A_1 : i32
    %mul3A_3 = arith.constant 640 : i32
    %mul3A_4 = arith.muli %arg1, %mul3A_3 : i32
    "tpu.region"() ({
      %run_scoped3A = tpu.sem_alloc : memref<!tpu.dma_semaphore, #tpu.memory_space<semaphore_mem>>
      %dma_start3A_57 = arith.constant 0 : i32
      %dma_start3A_58 = tpu.memref_slice %arg20[%mul3A_4, %dma_start3A_57] : memref<10240x128xf32, #tpu.memory_space<vmem_shared>> -> memref<640x128xf32, #tpu.memory_space<vmem_shared>>
      %dma_start3A_59 = arith.constant 0 : i32
      %dma_start3A_60 = tpu.memref_slice %arg4[%mul3A_2, %dma_start3A_59] : memref<10240x128xf32, #tpu.memory_space<hbm>> -> memref<640x128xf32, #tpu.memory_space<hbm>>
      tpu.enqueue_dma source(%dma_start3A_60 : memref<640x128xf32, #tpu.memory_space<hbm>>) target(%dma_start3A_58 : memref<640x128xf32, #tpu.memory_space<vmem_shared>>) target_semaphore(%run_scoped3A : memref<!tpu.dma_semaphore, #tpu.memory_space<semaphore_mem>>)
      %dma_wait3A_61 = arith.constant 0 : i32
      %dma_wait3A_62 = tpu.memref_slice %arg20[%mul3A_4, %dma_wait3A_61] : memref<10240x128xf32, #tpu.memory_space<vmem_shared>> -> memref<640x128xf32, #tpu.memory_space<vmem_shared>>
      %dma_wait3A_63 = arith.constant 0 : i32
      %dma_wait3A_64 = tpu.memref_slice %arg4[%mul3A_2, %dma_wait3A_63] : memref<10240x128xf32, #tpu.memory_space<hbm>> -> memref<640x128xf32, #tpu.memory_space<hbm>>
      tpu.wait_dma2 semaphore(%run_scoped3A : memref<!tpu.dma_semaphore, #tpu.memory_space<semaphore_mem>>) src(%dma_wait3A_64 : memref<640x128xf32, #tpu.memory_space<hbm>>) dst(%dma_wait3A_62 : memref<640x128xf32, #tpu.memory_space<vmem_shared>>)
      tpu.yield
    }) : () -> ()
    "tpu.region"() ({
      %run_scoped3A = tpu.sem_alloc : memref<!tpu.dma_semaphore, #tpu.memory_space<semaphore_mem>>
      %dma_start3A_57 = arith.constant 0 : i32
      %dma_start3A_58 = arith.constant 0 : i32
      %dma_start3A_59 = tpu.memref_slice %arg3[%add3A, %dma_start3A_57, %dma_start3A_58] : memref<64x200x50xi32, #tpu.memory_space<hbm>> -> memref<1x200x50xi32, #tpu.memory_space<hbm>>
      %dma_start3A_60 = tpu.memref_squeeze %dma_start3A_59 : memref<1x200x50xi32, #tpu.memory_space<hbm>> -> memref<200x50xi32, #tpu.memory_space<hbm>>
      %dma_start3A_61 = arith.constant 0 : i32
      %dma_start3A_62 = arith.constant 0 : i32
      %dma_start3A_63 = tpu.memref_slice %arg3[%add3A, %dma_start3A_61, %dma_start3A_62] : memref<64x200x50xi32, #tpu.memory_space<hbm>> -> memref<1x200x50xi32, #tpu.memory_space<hbm>>
      %dma_start3A_64 = tpu.memref_squeeze %dma_start3A_63 : memref<1x200x50xi32, #tpu.memory_space<hbm>> -> memref<200x50xi32, #tpu.memory_space<hbm>>
      tpu.enqueue_dma source(%dma_start3A_64 : memref<200x50xi32, #tpu.memory_space<hbm>>) target(%arg6 : memref<200x50xi32, #tpu.memory_space<vmem>>) target_semaphore(%run_scoped3A : memref<!tpu.dma_semaphore, #tpu.memory_space<semaphore_mem>>)
      %dma_wait3A_65 = arith.constant 0 : i32
      %dma_wait3A_66 = arith.constant 0 : i32
      %dma_wait3A_67 = tpu.memref_slice %arg3[%add3A, %dma_wait3A_65, %dma_wait3A_66] : memref<64x200x50xi32, #tpu.memory_space<hbm>> -> memref<1x200x50xi32, #tpu.memory_space<hbm>>
      %dma_wait3A_68 = tpu.memref_squeeze %dma_wait3A_67 : memref<1x200x50xi32, #tpu.memory_space<hbm>> -> memref<200x50xi32, #tpu.memory_space<hbm>>
      %dma_wait3A_69 = arith.constant 0 : i32
      %dma_wait3A_70 = arith.constant 0 : i32
      %dma_wait3A_71 = tpu.memref_slice %arg3[%add3A, %dma_wait3A_69, %dma_wait3A_70] : memref<64x200x50xi32, #tpu.memory_space<hbm>> -> memref<1x200x50xi32, #tpu.memory_space<hbm>>
      %dma_wait3A_72 = tpu.memref_squeeze %dma_wait3A_71 : memref<1x200x50xi32, #tpu.memory_space<hbm>> -> memref<200x50xi32, #tpu.memory_space<hbm>>
      tpu.wait_dma2 semaphore(%run_scoped3A : memref<!tpu.dma_semaphore, #tpu.memory_space<semaphore_mem>>) src(%dma_wait3A_72 : memref<200x50xi32, #tpu.memory_space<hbm>>) dst(%arg6 : memref<200x50xi32, #tpu.memory_space<vmem>>)
      tpu.yield
    }) : () -> ()
    %add3A_5 = arith.constant 32 : i32
    %add3A_6 = arith.addi %add3A_5, %add3A : i32
    "tpu.region"() ({
      %run_scoped3A = tpu.sem_alloc : memref<!tpu.dma_semaphore, #tpu.memory_space<semaphore_mem>>
      %dma_start3A_57 = arith.constant 0 : i32
      %dma_start3A_58 = arith.constant 0 : i32
      %dma_start3A_59 = tpu.memref_slice %arg3[%add3A_6, %dma_start3A_57, %dma_start3A_58] : memref<64x200x50xi32, #tpu.memory_space<hbm>> -> memref<1x200x50xi32, #tpu.memory_space<hbm>>
      %dma_start3A_60 = tpu.memref_squeeze %dma_start3A_59 : memref<1x200x50xi32, #tpu.memory_space<hbm>> -> memref<200x50xi32, #tpu.memory_space<hbm>>
      %dma_start3A_61 = arith.constant 0 : i32
      %dma_start3A_62 = arith.constant 0 : i32
      %dma_start3A_63 = tpu.memref_slice %arg3[%add3A_6, %dma_start3A_61, %dma_start3A_62] : memref<64x200x50xi32, #tpu.memory_space<hbm>> -> memref<1x200x50xi32, #tpu.memory_space<hbm>>
      %dma_start3A_64 = tpu.memref_squeeze %dma_start3A_63 : memref<1x200x50xi32, #tpu.memory_space<hbm>> -> memref<200x50xi32, #tpu.memory_space<hbm>>
      tpu.enqueue_dma source(%dma_start3A_64 : memref<200x50xi32, #tpu.memory_space<hbm>>) target(%arg7 : memref<200x50xi32, #tpu.memory_space<vmem>>) target_semaphore(%run_scoped3A : memref<!tpu.dma_semaphore, #tpu.memory_space<semaphore_mem>>)
      %dma_wait3A_65 = arith.constant 0 : i32
      %dma_wait3A_66 = arith.constant 0 : i32
      %dma_wait3A_67 = tpu.memref_slice %arg3[%add3A_6, %dma_wait3A_65, %dma_wait3A_66] : memref<64x200x50xi32, #tpu.memory_space<hbm>> -> memref<1x200x50xi32, #tpu.memory_space<hbm>>
      %dma_wait3A_68 = tpu.memref_squeeze %dma_wait3A_67 : memref<1x200x50xi32, #tpu.memory_space<hbm>> -> memref<200x50xi32, #tpu.memory_space<hbm>>
      %dma_wait3A_69 = arith.constant 0 : i32
      %dma_wait3A_70 = arith.constant 0 : i32
      %dma_wait3A_71 = tpu.memref_slice %arg3[%add3A_6, %dma_wait3A_69, %dma_wait3A_70] : memref<64x200x50xi32, #tpu.memory_space<hbm>> -> memref<1x200x50xi32, #tpu.memory_space<hbm>>
      %dma_wait3A_72 = tpu.memref_squeeze %dma_wait3A_71 : memref<1x200x50xi32, #tpu.memory_space<hbm>> -> memref<200x50xi32, #tpu.memory_space<hbm>>
      tpu.wait_dma2 semaphore(%run_scoped3A : memref<!tpu.dma_semaphore, #tpu.memory_space<semaphore_mem>>) src(%dma_wait3A_72 : memref<200x50xi32, #tpu.memory_space<hbm>>) dst(%arg7 : memref<200x50xi32, #tpu.memory_space<vmem>>)
      tpu.yield
    }) : () -> ()
    %barrier3A = arith.constant 0 : index
    tpu.barrier barrier_id(%barrier3A)
    %dma_start3A = arith.constant 0 : i32
    %dma_start3A_7 = arith.constant 0 : i32
    %dma_start3A_8 = tpu.memref_slice %arg6[%dma_start3A, %dma_start3A_7] : memref<200x50xi32, #tpu.memory_space<vmem>> -> memref<1x50xi32, #tpu.memory_space<vmem>>
    %dma_start3A_9 = tpu.memref_squeeze %dma_start3A_8 : memref<1x50xi32, #tpu.memory_space<vmem>> -> memref<50xi32, #tpu.memory_space<vmem>>
    %dma_start3A_10 = arith.constant 0 : i32
    %dma_start3A_11 = arith.constant 0 : i32
    %dma_start3A_12 = tpu.memref_slice %arg2[%dma_start3A_10, %dma_start3A_11] : memref<10000x128xf32, #tpu.memory_space<hbm>> -> memref<10000x128xf32, #tpu.memory_space<hbm>>
    tpu.enqueue_indirect_dma source(%dma_start3A_12 : memref<10000x128xf32, #tpu.memory_space<hbm>>) target(%arg8 : memref<50x128xf32, #tpu.memory_space<vmem>>) offsets(%dma_start3A_9 : memref<50xi32, #tpu.memory_space<vmem>>) semaphore(%arg12 : memref<!tpu.dma_semaphore, #tpu.memory_space<semaphore_mem>>)
    %dma_start3A_13 = arith.constant 1 : i32
    %dma_start3A_14 = arith.constant 0 : i32
    %dma_start3A_15 = tpu.memref_slice %arg6[%dma_start3A_13, %dma_start3A_14] : memref<200x50xi32, #tpu.memory_space<vmem>> -> memref<1x50xi32, #tpu.memory_space<vmem>>
    %dma_start3A_16 = tpu.memref_squeeze %dma_start3A_15 : memref<1x50xi32, #tpu.memory_space<vmem>> -> memref<50xi32, #tpu.memory_space<vmem>>
    %dma_start3A_17 = arith.constant 0 : i32
    %dma_start3A_18 = arith.constant 0 : i32
    %dma_start3A_19 = tpu.memref_slice %arg2[%dma_start3A_17, %dma_start3A_18] : memref<10000x128xf32, #tpu.memory_space<hbm>> -> memref<10000x128xf32, #tpu.memory_space<hbm>>
    tpu.enqueue_indirect_dma source(%dma_start3A_19 : memref<10000x128xf32, #tpu.memory_space<hbm>>) target(%arg9 : memref<50x128xf32, #tpu.memory_space<vmem>>) offsets(%dma_start3A_16 : memref<50xi32, #tpu.memory_space<vmem>>) semaphore(%arg13 : memref<!tpu.dma_semaphore, #tpu.memory_space<semaphore_mem>>)
    %scan3A = arith.constant 0 : i32
    %scan3A_20 = arith.constant 0 : i32
    %scan3A_21 = arith.constant 50 : i32
    %scan3A_22 = arith.addi %scan3A_20, %scan3A_21 : i32
    %scan3A_23 = arith.constant 1 : i32
    scf.for %scan3A_57 = %scan3A_20 to %scan3A_22 step %scan3A_23  : i32 {
      %mul3A_58 = arith.constant 4 : i32
      %mul3A_59 = arith.muli %mul3A_58, %scan3A_57 : i32
      %add3A_60 = arith.constant 0 : i32
      %add3A_61 = arith.addi %mul3A_59, %add3A_60 : i32
      %ge3A = arith.constant 2 : i32
      %ge3A_62 = arith.cmpi sge, %add3A_61, %ge3A : i32
      %add3A_63 = arith.constant 2 : i32
      %add3A_64 = arith.addi %add3A_61, %add3A_63 : i32
      %lt3A = arith.constant 200 : i32
      %lt3A_65 = arith.cmpi slt, %add3A_64, %lt3A : i32
      %and3A = arith.andi %ge3A_62, %lt3A_65 : i1
      %convert_element_type3A = arith.extui %and3A : i1 to i32
      %cond3A = arith.constant 0 : i32
      %cond3A_66 = arith.cmpi ne, %convert_element_type3A, %cond3A : i32
      scf.if %cond3A_66 {
        %sub3A = arith.constant 2 : i32
        %sub3A_185 = arith.subi %add3A_61, %sub3A : i32
        %dma_wait3A_186 = arith.constant 0 : i32
        %dma_wait3A_187 = tpu.memref_slice %arg7[%sub3A_185, %dma_wait3A_186] : memref<200x50xi32, #tpu.memory_space<vmem>> -> memref<1x50xi32, #tpu.memory_space<vmem>>
        %dma_wait3A_188 = tpu.memref_squeeze %dma_wait3A_187 : memref<1x50xi32, #tpu.memory_space<vmem>> -> memref<50xi32, #tpu.memory_space<vmem>>
        %dma_wait3A_189 = arith.constant 0 : i32
        %dma_wait3A_190 = arith.constant 0 : i32
        %dma_wait3A_191 = tpu.memref_slice %arg20[%dma_wait3A_189, %dma_wait3A_190] : memref<10240x128xf32, #tpu.memory_space<vmem_shared>> -> memref<10240x128xf32, #tpu.memory_space<vmem_shared>>
        tpu.wait_indirect_dma semaphore(%arg18 : memref<!tpu.dma_semaphore, #tpu.memory_space<semaphore_mem>>) src(%arg10 : memref<50x128xf32, #tpu.memory_space<vmem>>) dst(%dma_wait3A_191 : memref<10240x128xf32, #tpu.memory_space<vmem_shared>>)
      } else {
      }
      %add3A_67 = arith.constant 2 : i32
      %add3A_68 = arith.addi %add3A_61, %add3A_67 : i32
      %lt3A_69 = arith.constant 200 : i32
      %lt3A_70 = arith.cmpi slt, %add3A_68, %lt3A_69 : i32
      %convert_element_type3A_71 = arith.extui %lt3A_70 : i1 to i32
      %cond3A_72 = arith.constant 0 : i32
      %cond3A_73 = arith.cmpi ne, %convert_element_type3A_71, %cond3A_72 : i32
      scf.if %cond3A_73 {
        %add3A_185 = arith.constant 2 : i32
        %add3A_186 = arith.addi %add3A_61, %add3A_185 : i32
        %dma_start3A_187 = arith.constant 0 : i32
        %dma_start3A_188 = tpu.memref_slice %arg6[%add3A_186, %dma_start3A_187] : memref<200x50xi32, #tpu.memory_space<vmem>> -> memref<1x50xi32, #tpu.memory_space<vmem>>
        %dma_start3A_189 = tpu.memref_squeeze %dma_start3A_188 : memref<1x50xi32, #tpu.memory_space<vmem>> -> memref<50xi32, #tpu.memory_space<vmem>>
        %dma_start3A_190 = arith.constant 0 : i32
        %dma_start3A_191 = arith.constant 0 : i32
        %dma_start3A_192 = tpu.memref_slice %arg2[%dma_start3A_190, %dma_start3A_191] : memref<10000x128xf32, #tpu.memory_space<hbm>> -> memref<10000x128xf32, #tpu.memory_space<hbm>>
        tpu.enqueue_indirect_dma source(%dma_start3A_192 : memref<10000x128xf32, #tpu.memory_space<hbm>>) target(%arg10 : memref<50x128xf32, #tpu.memory_space<vmem>>) offsets(%dma_start3A_189 : memref<50xi32, #tpu.memory_space<vmem>>) semaphore(%arg14 : memref<!tpu.dma_semaphore, #tpu.memory_space<semaphore_mem>>)
      } else {
      }
      %dma_wait3A_74 = arith.constant 0 : i32
      %dma_wait3A_75 = tpu.memref_slice %arg6[%add3A_61, %dma_wait3A_74] : memref<200x50xi32, #tpu.memory_space<vmem>> -> memref<1x50xi32, #tpu.memory_space<vmem>>
      %dma_wait3A_76 = tpu.memref_squeeze %dma_wait3A_75 : memref<1x50xi32, #tpu.memory_space<vmem>> -> memref<50xi32, #tpu.memory_space<vmem>>
      %dma_wait3A_77 = arith.constant 0 : i32
      %dma_wait3A_78 = arith.constant 0 : i32
      %dma_wait3A_79 = tpu.memref_slice %arg2[%dma_wait3A_77, %dma_wait3A_78] : memref<10000x128xf32, #tpu.memory_space<hbm>> -> memref<10000x128xf32, #tpu.memory_space<hbm>>
      tpu.wait_indirect_dma semaphore(%arg12 : memref<!tpu.dma_semaphore, #tpu.memory_space<semaphore_mem>>) src(%dma_wait3A_79 : memref<10000x128xf32, #tpu.memory_space<hbm>>) dst(%arg8 : memref<50x128xf32, #tpu.memory_space<vmem>>)
      %dma_start3A_80 = arith.constant 0 : i32
      %dma_start3A_81 = tpu.memref_slice %arg7[%add3A_61, %dma_start3A_80] : memref<200x50xi32, #tpu.memory_space<vmem>> -> memref<1x50xi32, #tpu.memory_space<vmem>>
      %dma_start3A_82 = tpu.memref_squeeze %dma_start3A_81 : memref<1x50xi32, #tpu.memory_space<vmem>> -> memref<50xi32, #tpu.memory_space<vmem>>
      %dma_start3A_83 = arith.constant 0 : i32
      %dma_start3A_84 = arith.constant 0 : i32
      %dma_start3A_85 = tpu.memref_slice %arg20[%dma_start3A_83, %dma_start3A_84] : memref<10240x128xf32, #tpu.memory_space<vmem_shared>> -> memref<10240x128xf32, #tpu.memory_space<vmem_shared>>
      tpu.enqueue_indirect_dma source(%arg8 : memref<50x128xf32, #tpu.memory_space<vmem>>) target(%dma_start3A_85 : memref<10240x128xf32, #tpu.memory_space<vmem_shared>>) offsets(%dma_start3A_82 : memref<50xi32, #tpu.memory_space<vmem>>) semaphore(%arg16 : memref<!tpu.dma_semaphore, #tpu.memory_space<semaphore_mem>>) {add = true}
      %mul3A_86 = arith.constant 4 : i32
      %mul3A_87 = arith.muli %mul3A_86, %scan3A_57 : i32
      %add3A_88 = arith.constant 1 : i32
      %add3A_89 = arith.addi %mul3A_87, %add3A_88 : i32
      %ge3A_90 = arith.constant 2 : i32
      %ge3A_91 = arith.cmpi sge, %add3A_89, %ge3A_90 : i32
      %add3A_92 = arith.constant 2 : i32
      %add3A_93 = arith.addi %add3A_89, %add3A_92 : i32
      %lt3A_94 = arith.constant 200 : i32
      %lt3A_95 = arith.cmpi slt, %add3A_93, %lt3A_94 : i32
      %and3A_96 = arith.andi %ge3A_91, %lt3A_95 : i1
      %convert_element_type3A_97 = arith.extui %and3A_96 : i1 to i32
      %cond3A_98 = arith.constant 0 : i32
      %cond3A_99 = arith.cmpi ne, %convert_element_type3A_97, %cond3A_98 : i32
      scf.if %cond3A_99 {
        %sub3A = arith.constant 2 : i32
        %sub3A_185 = arith.subi %add3A_89, %sub3A : i32
        %dma_wait3A_186 = arith.constant 0 : i32
        %dma_wait3A_187 = tpu.memref_slice %arg7[%sub3A_185, %dma_wait3A_186] : memref<200x50xi32, #tpu.memory_space<vmem>> -> memref<1x50xi32, #tpu.memory_space<vmem>>
        %dma_wait3A_188 = tpu.memref_squeeze %dma_wait3A_187 : memref<1x50xi32, #tpu.memory_space<vmem>> -> memref<50xi32, #tpu.memory_space<vmem>>
        %dma_wait3A_189 = arith.constant 0 : i32
        %dma_wait3A_190 = arith.constant 0 : i32
        %dma_wait3A_191 = tpu.memref_slice %arg20[%dma_wait3A_189, %dma_wait3A_190] : memref<10240x128xf32, #tpu.memory_space<vmem_shared>> -> memref<10240x128xf32, #tpu.memory_space<vmem_shared>>
        tpu.wait_indirect_dma semaphore(%arg19 : memref<!tpu.dma_semaphore, #tpu.memory_space<semaphore_mem>>) src(%arg11 : memref<50x128xf32, #tpu.memory_space<vmem>>) dst(%dma_wait3A_191 : memref<10240x128xf32, #tpu.memory_space<vmem_shared>>)
      } else {
      }
      %add3A_100 = arith.constant 2 : i32
      %add3A_101 = arith.addi %add3A_89, %add3A_100 : i32
      %lt3A_102 = arith.constant 200 : i32
      %lt3A_103 = arith.cmpi slt, %add3A_101, %lt3A_102 : i32
      %convert_element_type3A_104 = arith.extui %lt3A_103 : i1 to i32
      %cond3A_105 = arith.constant 0 : i32
      %cond3A_106 = arith.cmpi ne, %convert_element_type3A_104, %cond3A_105 : i32
      scf.if %cond3A_106 {
        %add3A_185 = arith.constant 2 : i32
        %add3A_186 = arith.addi %add3A_89, %add3A_185 : i32
        %dma_start3A_187 = arith.constant 0 : i32
        %dma_start3A_188 = tpu.memref_slice %arg6[%add3A_186, %dma_start3A_187] : memref<200x50xi32, #tpu.memory_space<vmem>> -> memref<1x50xi32, #tpu.memory_space<vmem>>
        %dma_start3A_189 = tpu.memref_squeeze %dma_start3A_188 : memref<1x50xi32, #tpu.memory_space<vmem>> -> memref<50xi32, #tpu.memory_space<vmem>>
        %dma_start3A_190 = arith.constant 0 : i32
        %dma_start3A_191 = arith.constant 0 : i32
        %dma_start3A_192 = tpu.memref_slice %arg2[%dma_start3A_190, %dma_start3A_191] : memref<10000x128xf32, #tpu.memory_space<hbm>> -> memref<10000x128xf32, #tpu.memory_space<hbm>>
        tpu.enqueue_indirect_dma source(%dma_start3A_192 : memref<10000x128xf32, #tpu.memory_space<hbm>>) target(%arg11 : memref<50x128xf32, #tpu.memory_space<vmem>>) offsets(%dma_start3A_189 : memref<50xi32, #tpu.memory_space<vmem>>) semaphore(%arg15 : memref<!tpu.dma_semaphore, #tpu.memory_space<semaphore_mem>>)
      } else {
      }
      %dma_wait3A_107 = arith.constant 0 : i32
      %dma_wait3A_108 = tpu.memref_slice %arg6[%add3A_89, %dma_wait3A_107] : memref<200x50xi32, #tpu.memory_space<vmem>> -> memref<1x50xi32, #tpu.memory_space<vmem>>
      %dma_wait3A_109 = tpu.memref_squeeze %dma_wait3A_108 : memref<1x50xi32, #tpu.memory_space<vmem>> -> memref<50xi32, #tpu.memory_space<vmem>>
      %dma_wait3A_110 = arith.constant 0 : i32
      %dma_wait3A_111 = arith.constant 0 : i32
      %dma_wait3A_112 = tpu.memref_slice %arg2[%dma_wait3A_110, %dma_wait3A_111] : memref<10000x128xf32, #tpu.memory_space<hbm>> -> memref<10000x128xf32, #tpu.memory_space<hbm>>
      tpu.wait_indirect_dma semaphore(%arg13 : memref<!tpu.dma_semaphore, #tpu.memory_space<semaphore_mem>>) src(%dma_wait3A_112 : memref<10000x128xf32, #tpu.memory_space<hbm>>) dst(%arg9 : memref<50x128xf32, #tpu.memory_space<vmem>>)
      %dma_start3A_113 = arith.constant 0 : i32
      %dma_start3A_114 = tpu.memref_slice %arg7[%add3A_89, %dma_start3A_113] : memref<200x50xi32, #tpu.memory_space<vmem>> -> memref<1x50xi32, #tpu.memory_space<vmem>>
      %dma_start3A_115 = tpu.memref_squeeze %dma_start3A_114 : memref<1x50xi32, #tpu.memory_space<vmem>> -> memref<50xi32, #tpu.memory_space<vmem>>
      %dma_start3A_116 = arith.constant 0 : i32
      %dma_start3A_117 = arith.constant 0 : i32
      %dma_start3A_118 = tpu.memref_slice %arg20[%dma_start3A_116, %dma_start3A_117] : memref<10240x128xf32, #tpu.memory_space<vmem_shared>> -> memref<10240x128xf32, #tpu.memory_space<vmem_shared>>
      tpu.enqueue_indirect_dma source(%arg9 : memref<50x128xf32, #tpu.memory_space<vmem>>) target(%dma_start3A_118 : memref<10240x128xf32, #tpu.memory_space<vmem_shared>>) offsets(%dma_start3A_115 : memref<50xi32, #tpu.memory_space<vmem>>) semaphore(%arg17 : memref<!tpu.dma_semaphore, #tpu.memory_space<semaphore_mem>>) {add = true}
      %mul3A_119 = arith.constant 4 : i32
      %mul3A_120 = arith.muli %mul3A_119, %scan3A_57 : i32
      %add3A_121 = arith.constant 2 : i32
      %add3A_122 = arith.addi %mul3A_120, %add3A_121 : i32
      %ge3A_123 = arith.constant 2 : i32
      %ge3A_124 = arith.cmpi sge, %add3A_122, %ge3A_123 : i32
      %add3A_125 = arith.constant 2 : i32
      %add3A_126 = arith.addi %add3A_122, %add3A_125 : i32
      %lt3A_127 = arith.constant 200 : i32
      %lt3A_128 = arith.cmpi slt, %add3A_126, %lt3A_127 : i32
      %and3A_129 = arith.andi %ge3A_124, %lt3A_128 : i1
      %convert_element_type3A_130 = arith.extui %and3A_129 : i1 to i32
      %cond3A_131 = arith.constant 0 : i32
      %cond3A_132 = arith.cmpi ne, %convert_element_type3A_130, %cond3A_131 : i32
      scf.if %cond3A_132 {
        %sub3A = arith.constant 2 : i32
        %sub3A_185 = arith.subi %add3A_122, %sub3A : i32
        %dma_wait3A_186 = arith.constant 0 : i32
        %dma_wait3A_187 = tpu.memref_slice %arg7[%sub3A_185, %dma_wait3A_186] : memref<200x50xi32, #tpu.memory_space<vmem>> -> memref<1x50xi32, #tpu.memory_space<vmem>>
        %dma_wait3A_188 = tpu.memref_squeeze %dma_wait3A_187 : memref<1x50xi32, #tpu.memory_space<vmem>> -> memref<50xi32, #tpu.memory_space<vmem>>
        %dma_wait3A_189 = arith.constant 0 : i32
        %dma_wait3A_190 = arith.constant 0 : i32
        %dma_wait3A_191 = tpu.memref_slice %arg20[%dma_wait3A_189, %dma_wait3A_190] : memref<10240x128xf32, #tpu.memory_space<vmem_shared>> -> memref<10240x128xf32, #tpu.memory_space<vmem_shared>>
        tpu.wait_indirect_dma semaphore(%arg16 : memref<!tpu.dma_semaphore, #tpu.memory_space<semaphore_mem>>) src(%arg8 : memref<50x128xf32, #tpu.memory_space<vmem>>) dst(%dma_wait3A_191 : memref<10240x128xf32, #tpu.memory_space<vmem_shared>>)
      } else {
      }
      %add3A_133 = arith.constant 2 : i32
      %add3A_134 = arith.addi %add3A_122, %add3A_133 : i32
      %lt3A_135 = arith.constant 200 : i32
      %lt3A_136 = arith.cmpi slt, %add3A_134, %lt3A_135 : i32
      %convert_element_type3A_137 = arith.extui %lt3A_136 : i1 to i32
      %cond3A_138 = arith.constant 0 : i32
      %cond3A_139 = arith.cmpi ne, %convert_element_type3A_137, %cond3A_138 : i32
      scf.if %cond3A_139 {
        %add3A_185 = arith.constant 2 : i32
        %add3A_186 = arith.addi %add3A_122, %add3A_185 : i32
        %dma_start3A_187 = arith.constant 0 : i32
        %dma_start3A_188 = tpu.memref_slice %arg6[%add3A_186, %dma_start3A_187] : memref<200x50xi32, #tpu.memory_space<vmem>> -> memref<1x50xi32, #tpu.memory_space<vmem>>
        %dma_start3A_189 = tpu.memref_squeeze %dma_start3A_188 : memref<1x50xi32, #tpu.memory_space<vmem>> -> memref<50xi32, #tpu.memory_space<vmem>>
        %dma_start3A_190 = arith.constant 0 : i32
        %dma_start3A_191 = arith.constant 0 : i32
        %dma_start3A_192 = tpu.memref_slice %arg2[%dma_start3A_190, %dma_start3A_191] : memref<10000x128xf32, #tpu.memory_space<hbm>> -> memref<10000x128xf32, #tpu.memory_space<hbm>>
        tpu.enqueue_indirect_dma source(%dma_start3A_192 : memref<10000x128xf32, #tpu.memory_space<hbm>>) target(%arg8 : memref<50x128xf32, #tpu.memory_space<vmem>>) offsets(%dma_start3A_189 : memref<50xi32, #tpu.memory_space<vmem>>) semaphore(%arg12 : memref<!tpu.dma_semaphore, #tpu.memory_space<semaphore_mem>>)
      } else {
      }
      %dma_wait3A_140 = arith.constant 0 : i32
      %dma_wait3A_141 = tpu.memref_slice %arg6[%add3A_122, %dma_wait3A_140] : memref<200x50xi32, #tpu.memory_space<vmem>> -> memref<1x50xi32, #tpu.memory_space<vmem>>
      %dma_wait3A_142 = tpu.memref_squeeze %dma_wait3A_141 : memref<1x50xi32, #tpu.memory_space<vmem>> -> memref<50xi32, #tpu.memory_space<vmem>>
      %dma_wait3A_143 = arith.constant 0 : i32
      %dma_wait3A_144 = arith.constant 0 : i32
      %dma_wait3A_145 = tpu.memref_slice %arg2[%dma_wait3A_143, %dma_wait3A_144] : memref<10000x128xf32, #tpu.memory_space<hbm>> -> memref<10000x128xf32, #tpu.memory_space<hbm>>
      tpu.wait_indirect_dma semaphore(%arg14 : memref<!tpu.dma_semaphore, #tpu.memory_space<semaphore_mem>>) src(%dma_wait3A_145 : memref<10000x128xf32, #tpu.memory_space<hbm>>) dst(%arg10 : memref<50x128xf32, #tpu.memory_space<vmem>>)
      %dma_start3A_146 = arith.constant 0 : i32
      %dma_start3A_147 = tpu.memref_slice %arg7[%add3A_122, %dma_start3A_146] : memref<200x50xi32, #tpu.memory_space<vmem>> -> memref<1x50xi32, #tpu.memory_space<vmem>>
      %dma_start3A_148 = tpu.memref_squeeze %dma_start3A_147 : memref<1x50xi32, #tpu.memory_space<vmem>> -> memref<50xi32, #tpu.memory_space<vmem>>
      %dma_start3A_149 = arith.constant 0 : i32
      %dma_start3A_150 = arith.constant 0 : i32
      %dma_start3A_151 = tpu.memref_slice %arg20[%dma_start3A_149, %dma_start3A_150] : memref<10240x128xf32, #tpu.memory_space<vmem_shared>> -> memref<10240x128xf32, #tpu.memory_space<vmem_shared>>
      tpu.enqueue_indirect_dma source(%arg10 : memref<50x128xf32, #tpu.memory_space<vmem>>) target(%dma_start3A_151 : memref<10240x128xf32, #tpu.memory_space<vmem_shared>>) offsets(%dma_start3A_148 : memref<50xi32, #tpu.memory_space<vmem>>) semaphore(%arg18 : memref<!tpu.dma_semaphore, #tpu.memory_space<semaphore_mem>>) {add = true}
      %mul3A_152 = arith.constant 4 : i32
      %mul3A_153 = arith.muli %mul3A_152, %scan3A_57 : i32
      %add3A_154 = arith.constant 3 : i32
      %add3A_155 = arith.addi %mul3A_153, %add3A_154 : i32
      %ge3A_156 = arith.constant 2 : i32
      %ge3A_157 = arith.cmpi sge, %add3A_155, %ge3A_156 : i32
      %add3A_158 = arith.constant 2 : i32
      %add3A_159 = arith.addi %add3A_155, %add3A_158 : i32
      %lt3A_160 = arith.constant 200 : i32
      %lt3A_161 = arith.cmpi slt, %add3A_159, %lt3A_160 : i32
      %and3A_162 = arith.andi %ge3A_157, %lt3A_161 : i1
      %convert_element_type3A_163 = arith.extui %and3A_162 : i1 to i32
      %cond3A_164 = arith.constant 0 : i32
      %cond3A_165 = arith.cmpi ne, %convert_element_type3A_163, %cond3A_164 : i32
      scf.if %cond3A_165 {
        %sub3A = arith.constant 2 : i32
        %sub3A_185 = arith.subi %add3A_155, %sub3A : i32
        %dma_wait3A_186 = arith.constant 0 : i32
        %dma_wait3A_187 = tpu.memref_slice %arg7[%sub3A_185, %dma_wait3A_186] : memref<200x50xi32, #tpu.memory_space<vmem>> -> memref<1x50xi32, #tpu.memory_space<vmem>>
        %dma_wait3A_188 = tpu.memref_squeeze %dma_wait3A_187 : memref<1x50xi32, #tpu.memory_space<vmem>> -> memref<50xi32, #tpu.memory_space<vmem>>
        %dma_wait3A_189 = arith.constant 0 : i32
        %dma_wait3A_190 = arith.constant 0 : i32
        %dma_wait3A_191 = tpu.memref_slice %arg20[%dma_wait3A_189, %dma_wait3A_190] : memref<10240x128xf32, #tpu.memory_space<vmem_shared>> -> memref<10240x128xf32, #tpu.memory_space<vmem_shared>>
        tpu.wait_indirect_dma semaphore(%arg17 : memref<!tpu.dma_semaphore, #tpu.memory_space<semaphore_mem>>) src(%arg9 : memref<50x128xf32, #tpu.memory_space<vmem>>) dst(%dma_wait3A_191 : memref<10240x128xf32, #tpu.memory_space<vmem_shared>>)
      } else {
      }
      %add3A_166 = arith.constant 2 : i32
      %add3A_167 = arith.addi %add3A_155, %add3A_166 : i32
      %lt3A_168 = arith.constant 200 : i32
      %lt3A_169 = arith.cmpi slt, %add3A_167, %lt3A_168 : i32
      %convert_element_type3A_170 = arith.extui %lt3A_169 : i1 to i32
      %cond3A_171 = arith.constant 0 : i32
      %cond3A_172 = arith.cmpi ne, %convert_element_type3A_170, %cond3A_171 : i32
      scf.if %cond3A_172 {
        %add3A_185 = arith.constant 2 : i32
        %add3A_186 = arith.addi %add3A_155, %add3A_185 : i32
        %dma_start3A_187 = arith.constant 0 : i32
        %dma_start3A_188 = tpu.memref_slice %arg6[%add3A_186, %dma_start3A_187] : memref<200x50xi32, #tpu.memory_space<vmem>> -> memref<1x50xi32, #tpu.memory_space<vmem>>
        %dma_start3A_189 = tpu.memref_squeeze %dma_start3A_188 : memref<1x50xi32, #tpu.memory_space<vmem>> -> memref<50xi32, #tpu.memory_space<vmem>>
        %dma_start3A_190 = arith.constant 0 : i32
        %dma_start3A_191 = arith.constant 0 : i32
        %dma_start3A_192 = tpu.memref_slice %arg2[%dma_start3A_190, %dma_start3A_191] : memref<10000x128xf32, #tpu.memory_space<hbm>> -> memref<10000x128xf32, #tpu.memory_space<hbm>>
        tpu.enqueue_indirect_dma source(%dma_start3A_192 : memref<10000x128xf32, #tpu.memory_space<hbm>>) target(%arg9 : memref<50x128xf32, #tpu.memory_space<vmem>>) offsets(%dma_start3A_189 : memref<50xi32, #tpu.memory_space<vmem>>) semaphore(%arg13 : memref<!tpu.dma_semaphore, #tpu.memory_space<semaphore_mem>>)
      } else {
      }
      %dma_wait3A_173 = arith.constant 0 : i32
      %dma_wait3A_174 = tpu.memref_slice %arg6[%add3A_155, %dma_wait3A_173] : memref<200x50xi32, #tpu.memory_space<vmem>> -> memref<1x50xi32, #tpu.memory_space<vmem>>
      %dma_wait3A_175 = tpu.memref_squeeze %dma_wait3A_174 : memref<1x50xi32, #tpu.memory_space<vmem>> -> memref<50xi32, #tpu.memory_space<vmem>>
      %dma_wait3A_176 = arith.constant 0 : i32
      %dma_wait3A_177 = arith.constant 0 : i32
      %dma_wait3A_178 = tpu.memref_slice %arg2[%dma_wait3A_176, %dma_wait3A_177] : memref<10000x128xf32, #tpu.memory_space<hbm>> -> memref<10000x128xf32, #tpu.memory_space<hbm>>
      tpu.wait_indirect_dma semaphore(%arg15 : memref<!tpu.dma_semaphore, #tpu.memory_space<semaphore_mem>>) src(%dma_wait3A_178 : memref<10000x128xf32, #tpu.memory_space<hbm>>) dst(%arg11 : memref<50x128xf32, #tpu.memory_space<vmem>>)
      %dma_start3A_179 = arith.constant 0 : i32
      %dma_start3A_180 = tpu.memref_slice %arg7[%add3A_155, %dma_start3A_179] : memref<200x50xi32, #tpu.memory_space<vmem>> -> memref<1x50xi32, #tpu.memory_space<vmem>>
      %dma_start3A_181 = tpu.memref_squeeze %dma_start3A_180 : memref<1x50xi32, #tpu.memory_space<vmem>> -> memref<50xi32, #tpu.memory_space<vmem>>
      %dma_start3A_182 = arith.constant 0 : i32
      %dma_start3A_183 = arith.constant 0 : i32
      %dma_start3A_184 = tpu.memref_slice %arg20[%dma_start3A_182, %dma_start3A_183] : memref<10240x128xf32, #tpu.memory_space<vmem_shared>> -> memref<10240x128xf32, #tpu.memory_space<vmem_shared>>
      tpu.enqueue_indirect_dma source(%arg11 : memref<50x128xf32, #tpu.memory_space<vmem>>) target(%dma_start3A_184 : memref<10240x128xf32, #tpu.memory_space<vmem_shared>>) offsets(%dma_start3A_181 : memref<50xi32, #tpu.memory_space<vmem>>) semaphore(%arg19 : memref<!tpu.dma_semaphore, #tpu.memory_space<semaphore_mem>>) {add = true}
    }
    %scan3A_24 = arith.constant 50 : i32
    %dma_wait3A = arith.constant 196 : i32
    %dma_wait3A_25 = arith.constant 0 : i32
    %dma_wait3A_26 = tpu.memref_slice %arg7[%dma_wait3A, %dma_wait3A_25] : memref<200x50xi32, #tpu.memory_space<vmem>> -> memref<1x50xi32, #tpu.memory_space<vmem>>
    %dma_wait3A_27 = tpu.memref_squeeze %dma_wait3A_26 : memref<1x50xi32, #tpu.memory_space<vmem>> -> memref<50xi32, #tpu.memory_space<vmem>>
    %dma_wait3A_28 = arith.constant 0 : i32
    %dma_wait3A_29 = arith.constant 0 : i32
    %dma_wait3A_30 = tpu.memref_slice %arg20[%dma_wait3A_28, %dma_wait3A_29] : memref<10240x128xf32, #tpu.memory_space<vmem_shared>> -> memref<10240x128xf32, #tpu.memory_space<vmem_shared>>
    tpu.wait_indirect_dma semaphore(%arg16 : memref<!tpu.dma_semaphore, #tpu.memory_space<semaphore_mem>>) src(%arg8 : memref<50x128xf32, #tpu.memory_space<vmem>>) dst(%dma_wait3A_30 : memref<10240x128xf32, #tpu.memory_space<vmem_shared>>)
    %dma_wait3A_31 = arith.constant 197 : i32
    %dma_wait3A_32 = arith.constant 0 : i32
    %dma_wait3A_33 = tpu.memref_slice %arg7[%dma_wait3A_31, %dma_wait3A_32] : memref<200x50xi32, #tpu.memory_space<vmem>> -> memref<1x50xi32, #tpu.memory_space<vmem>>
    %dma_wait3A_34 = tpu.memref_squeeze %dma_wait3A_33 : memref<1x50xi32, #tpu.memory_space<vmem>> -> memref<50xi32, #tpu.memory_space<vmem>>
    %dma_wait3A_35 = arith.constant 0 : i32
    %dma_wait3A_36 = arith.constant 0 : i32
    %dma_wait3A_37 = tpu.memref_slice %arg20[%dma_wait3A_35, %dma_wait3A_36] : memref<10240x128xf32, #tpu.memory_space<vmem_shared>> -> memref<10240x128xf32, #tpu.memory_space<vmem_shared>>
    tpu.wait_indirect_dma semaphore(%arg17 : memref<!tpu.dma_semaphore, #tpu.memory_space<semaphore_mem>>) src(%arg9 : memref<50x128xf32, #tpu.memory_space<vmem>>) dst(%dma_wait3A_37 : memref<10240x128xf32, #tpu.memory_space<vmem_shared>>)
    %dma_wait3A_38 = arith.constant 198 : i32
    %dma_wait3A_39 = arith.constant 0 : i32
    %dma_wait3A_40 = tpu.memref_slice %arg7[%dma_wait3A_38, %dma_wait3A_39] : memref<200x50xi32, #tpu.memory_space<vmem>> -> memref<1x50xi32, #tpu.memory_space<vmem>>
    %dma_wait3A_41 = tpu.memref_squeeze %dma_wait3A_40 : memref<1x50xi32, #tpu.memory_space<vmem>> -> memref<50xi32, #tpu.memory_space<vmem>>
    %dma_wait3A_42 = arith.constant 0 : i32
    %dma_wait3A_43 = arith.constant 0 : i32
    %dma_wait3A_44 = tpu.memref_slice %arg20[%dma_wait3A_42, %dma_wait3A_43] : memref<10240x128xf32, #tpu.memory_space<vmem_shared>> -> memref<10240x128xf32, #tpu.memory_space<vmem_shared>>
    tpu.wait_indirect_dma semaphore(%arg18 : memref<!tpu.dma_semaphore, #tpu.memory_space<semaphore_mem>>) src(%arg10 : memref<50x128xf32, #tpu.memory_space<vmem>>) dst(%dma_wait3A_44 : memref<10240x128xf32, #tpu.memory_space<vmem_shared>>)
    %dma_wait3A_45 = arith.constant 199 : i32
    %dma_wait3A_46 = arith.constant 0 : i32
    %dma_wait3A_47 = tpu.memref_slice %arg7[%dma_wait3A_45, %dma_wait3A_46] : memref<200x50xi32, #tpu.memory_space<vmem>> -> memref<1x50xi32, #tpu.memory_space<vmem>>
    %dma_wait3A_48 = tpu.memref_squeeze %dma_wait3A_47 : memref<1x50xi32, #tpu.memory_space<vmem>> -> memref<50xi32, #tpu.memory_space<vmem>>
    %dma_wait3A_49 = arith.constant 0 : i32
    %dma_wait3A_50 = arith.constant 0 : i32
    %dma_wait3A_51 = tpu.memref_slice %arg20[%dma_wait3A_49, %dma_wait3A_50] : memref<10240x128xf32, #tpu.memory_space<vmem_shared>> -> memref<10240x128xf32, #tpu.memory_space<vmem_shared>>
    tpu.wait_indirect_dma semaphore(%arg19 : memref<!tpu.dma_semaphore, #tpu.memory_space<semaphore_mem>>) src(%arg11 : memref<50x128xf32, #tpu.memory_space<vmem>>) dst(%dma_wait3A_51 : memref<10240x128xf32, #tpu.memory_space<vmem_shared>>)
    %barrier3A_52 = arith.constant 0 : index
    tpu.barrier barrier_id(%barrier3A_52)
    %mul3A_53 = arith.constant 640 : i32
    %mul3A_54 = arith.muli %arg1, %mul3A_53 : i32
    %mul3A_55 = arith.constant 640 : i32
    %mul3A_56 = arith.muli %arg1, %mul3A_55 : i32
    "tpu.region"() ({
      %run_scoped3A = tpu.sem_alloc : memref<!tpu.dma_semaphore, #tpu.memory_space<semaphore_mem>>
      %dma_start3A_57 = arith.constant 0 : i32
      %dma_start3A_58 = tpu.memref_slice %arg5[%arg0, %mul3A_56, %dma_start3A_57] : memref<2x10240x128xf32, #tpu.memory_space<hbm>> -> memref<1x640x128xf32, #tpu.memory_space<hbm>>
      %dma_start3A_59 = tpu.memref_squeeze %dma_start3A_58 : memref<1x640x128xf32, #tpu.memory_space<hbm>> -> memref<640x128xf32, #tpu.memory_space<hbm>>
      %dma_start3A_60 = arith.constant 0 : i32
      %dma_start3A_61 = tpu.memref_slice %arg20[%mul3A_54, %dma_start3A_60] : memref<10240x128xf32, #tpu.memory_space<vmem_shared>> -> memref<640x128xf32, #tpu.memory_space<vmem_shared>>
      tpu.enqueue_dma source(%dma_start3A_61 : memref<640x128xf32, #tpu.memory_space<vmem_shared>>) target(%dma_start3A_59 : memref<640x128xf32, #tpu.memory_space<hbm>>) target_semaphore(%run_scoped3A : memref<!tpu.dma_semaphore, #tpu.memory_space<semaphore_mem>>)
      %dma_wait3A_62 = arith.constant 0 : i32
      %dma_wait3A_63 = tpu.memref_slice %arg5[%arg0, %mul3A_56, %dma_wait3A_62] : memref<2x10240x128xf32, #tpu.memory_space<hbm>> -> memref<1x640x128xf32, #tpu.memory_space<hbm>>
      %dma_wait3A_64 = tpu.memref_squeeze %dma_wait3A_63 : memref<1x640x128xf32, #tpu.memory_space<hbm>> -> memref<640x128xf32, #tpu.memory_space<hbm>>
      %dma_wait3A_65 = arith.constant 0 : i32
      %dma_wait3A_66 = tpu.memref_slice %arg20[%mul3A_54, %dma_wait3A_65] : memref<10240x128xf32, #tpu.memory_space<vmem_shared>> -> memref<640x128xf32, #tpu.memory_space<vmem_shared>>
      tpu.wait_dma2 semaphore(%run_scoped3A : memref<!tpu.dma_semaphore, #tpu.memory_space<semaphore_mem>>) src(%dma_wait3A_66 : memref<640x128xf32, #tpu.memory_space<vmem_shared>>) dst(%dma_wait3A_64 : memref<640x128xf32, #tpu.memory_space<hbm>>)
      tpu.yield
    }) : () -> ()
    return
  }
}

#map = affine_map<(d0, d1) -> (0, 0, 0)>
#map1 = affine_map<(d0, d1) -> (0)>
#map2 = affine_map<(d0, d1) -> (0, 0)>
module attributes {stable_mosaic.version = 14 : i64} {
  func.func @deg_kernel(%arg0: i32, %arg1: i32, %arg2: memref<64x80x125xi32, #tpu.memory_space<hbm>>, %arg3: memref<125xf32, #tpu.memory_space<hbm>>, %arg4: memref<10240xf32, #tpu.memory_space<hbm>>, %arg5: memref<2x10240xf32, #tpu.memory_space<hbm>>, %arg6: memref<80x125xi32, #tpu.memory_space<vmem>>, %arg7: memref<125xf32, #tpu.memory_space<vmem>>, %arg8: memref<10240xf32, #tpu.memory_space<vmem_shared>>) attributes {dimension_semantics = [#tpu.dimension_semantics<core_parallel>, #tpu.dimension_semantics<subcore_parallel>], iteration_bounds = array<i64: 2, 16>, scalar_prefetch = 0 : i64, scratch_operands = 3 : i64, tpu.core_type = #tpu.core_type<sc_vector_subcore>, window_params = [{transform_indices = #map}, {transform_indices = #map1}, {transform_indices = #map1}, {transform_indices = #map2}]} {
    %mul3A = arith.constant 16 : i32
    %mul3A_0 = arith.muli %arg0, %mul3A : i32
    %add3A = arith.addi %mul3A_0, %arg1 : i32
    %mul3A_1 = arith.constant 640 : i32
    %mul3A_2 = arith.muli %arg1, %mul3A_1 : i32
    %mul3A_3 = arith.constant 640 : i32
    %mul3A_4 = arith.muli %arg1, %mul3A_3 : i32
    "tpu.region"() ({
      %run_scoped3A = tpu.sem_alloc : memref<!tpu.dma_semaphore, #tpu.memory_space<semaphore_mem>>
      %dma_start3A = tpu.memref_slice %arg8[%mul3A_4] : memref<10240xf32, #tpu.memory_space<vmem_shared>> -> memref<640xf32, #tpu.memory_space<vmem_shared>>
      %dma_start3A_17 = tpu.memref_slice %arg4[%mul3A_2] : memref<10240xf32, #tpu.memory_space<hbm>> -> memref<640xf32, #tpu.memory_space<hbm>>
      tpu.enqueue_dma source(%dma_start3A_17 : memref<640xf32, #tpu.memory_space<hbm>>) target(%dma_start3A : memref<640xf32, #tpu.memory_space<vmem_shared>>) target_semaphore(%run_scoped3A : memref<!tpu.dma_semaphore, #tpu.memory_space<semaphore_mem>>)
      %dma_wait3A = tpu.memref_slice %arg8[%mul3A_4] : memref<10240xf32, #tpu.memory_space<vmem_shared>> -> memref<640xf32, #tpu.memory_space<vmem_shared>>
      %dma_wait3A_18 = tpu.memref_slice %arg4[%mul3A_2] : memref<10240xf32, #tpu.memory_space<hbm>> -> memref<640xf32, #tpu.memory_space<hbm>>
      tpu.wait_dma2 semaphore(%run_scoped3A : memref<!tpu.dma_semaphore, #tpu.memory_space<semaphore_mem>>) src(%dma_wait3A_18 : memref<640xf32, #tpu.memory_space<hbm>>) dst(%dma_wait3A : memref<640xf32, #tpu.memory_space<vmem_shared>>)
      tpu.yield
    }) : () -> ()
    %add3A_5 = arith.constant 32 : i32
    %add3A_6 = arith.addi %add3A_5, %add3A : i32
    "tpu.region"() ({
      %run_scoped3A = tpu.sem_alloc : memref<!tpu.dma_semaphore, #tpu.memory_space<semaphore_mem>>
      %dma_start3A = arith.constant 0 : i32
      %dma_start3A_17 = arith.constant 0 : i32
      %dma_start3A_18 = tpu.memref_slice %arg2[%add3A_6, %dma_start3A, %dma_start3A_17] : memref<64x80x125xi32, #tpu.memory_space<hbm>> -> memref<1x80x125xi32, #tpu.memory_space<hbm>>
      %dma_start3A_19 = tpu.memref_squeeze %dma_start3A_18 : memref<1x80x125xi32, #tpu.memory_space<hbm>> -> memref<80x125xi32, #tpu.memory_space<hbm>>
      %dma_start3A_20 = arith.constant 0 : i32
      %dma_start3A_21 = arith.constant 0 : i32
      %dma_start3A_22 = tpu.memref_slice %arg2[%add3A_6, %dma_start3A_20, %dma_start3A_21] : memref<64x80x125xi32, #tpu.memory_space<hbm>> -> memref<1x80x125xi32, #tpu.memory_space<hbm>>
      %dma_start3A_23 = tpu.memref_squeeze %dma_start3A_22 : memref<1x80x125xi32, #tpu.memory_space<hbm>> -> memref<80x125xi32, #tpu.memory_space<hbm>>
      tpu.enqueue_dma source(%dma_start3A_23 : memref<80x125xi32, #tpu.memory_space<hbm>>) target(%arg6 : memref<80x125xi32, #tpu.memory_space<vmem>>) target_semaphore(%run_scoped3A : memref<!tpu.dma_semaphore, #tpu.memory_space<semaphore_mem>>)
      %dma_wait3A = arith.constant 0 : i32
      %dma_wait3A_24 = arith.constant 0 : i32
      %dma_wait3A_25 = tpu.memref_slice %arg2[%add3A_6, %dma_wait3A, %dma_wait3A_24] : memref<64x80x125xi32, #tpu.memory_space<hbm>> -> memref<1x80x125xi32, #tpu.memory_space<hbm>>
      %dma_wait3A_26 = tpu.memref_squeeze %dma_wait3A_25 : memref<1x80x125xi32, #tpu.memory_space<hbm>> -> memref<80x125xi32, #tpu.memory_space<hbm>>
      %dma_wait3A_27 = arith.constant 0 : i32
      %dma_wait3A_28 = arith.constant 0 : i32
      %dma_wait3A_29 = tpu.memref_slice %arg2[%add3A_6, %dma_wait3A_27, %dma_wait3A_28] : memref<64x80x125xi32, #tpu.memory_space<hbm>> -> memref<1x80x125xi32, #tpu.memory_space<hbm>>
      %dma_wait3A_30 = tpu.memref_squeeze %dma_wait3A_29 : memref<1x80x125xi32, #tpu.memory_space<hbm>> -> memref<80x125xi32, #tpu.memory_space<hbm>>
      tpu.wait_dma2 semaphore(%run_scoped3A : memref<!tpu.dma_semaphore, #tpu.memory_space<semaphore_mem>>) src(%dma_wait3A_30 : memref<80x125xi32, #tpu.memory_space<hbm>>) dst(%arg6 : memref<80x125xi32, #tpu.memory_space<vmem>>)
      tpu.yield
    }) : () -> ()
    "tpu.region"() ({
      %run_scoped3A = tpu.sem_alloc : memref<!tpu.dma_semaphore, #tpu.memory_space<semaphore_mem>>
      tpu.enqueue_dma source(%arg3 : memref<125xf32, #tpu.memory_space<hbm>>) target(%arg7 : memref<125xf32, #tpu.memory_space<vmem>>) target_semaphore(%run_scoped3A : memref<!tpu.dma_semaphore, #tpu.memory_space<semaphore_mem>>)
      tpu.wait_dma2 semaphore(%run_scoped3A : memref<!tpu.dma_semaphore, #tpu.memory_space<semaphore_mem>>) src(%arg3 : memref<125xf32, #tpu.memory_space<hbm>>) dst(%arg7 : memref<125xf32, #tpu.memory_space<vmem>>)
      tpu.yield
    }) : () -> ()
    %barrier3A = arith.constant 0 : index
    tpu.barrier barrier_id(%barrier3A)
    %scan3A = arith.constant 0 : i32
    %scan3A_7 = arith.constant 0 : i32
    %scan3A_8 = arith.constant 80 : i32
    %scan3A_9 = arith.addi %scan3A_7, %scan3A_8 : i32
    %scan3A_10 = arith.constant 1 : i32
    scf.for %scan3A_17 = %scan3A_7 to %scan3A_9 step %scan3A_10  : i32 {
      "tpu.region"() ({
        %run_scoped3A = tpu.sem_alloc : memref<!tpu.dma_semaphore, #tpu.memory_space<semaphore_mem>>
        %dma_start3A = arith.constant 0 : i32
        %dma_start3A_18 = tpu.memref_slice %arg6[%scan3A_17, %dma_start3A] : memref<80x125xi32, #tpu.memory_space<vmem>> -> memref<1x125xi32, #tpu.memory_space<vmem>>
        %dma_start3A_19 = tpu.memref_squeeze %dma_start3A_18 : memref<1x125xi32, #tpu.memory_space<vmem>> -> memref<125xi32, #tpu.memory_space<vmem>>
        %dma_start3A_20 = arith.constant 0 : i32
        %dma_start3A_21 = tpu.memref_slice %arg8[%dma_start3A_20] : memref<10240xf32, #tpu.memory_space<vmem_shared>> -> memref<10240xf32, #tpu.memory_space<vmem_shared>>
        tpu.enqueue_indirect_dma source(%arg7 : memref<125xf32, #tpu.memory_space<vmem>>) target(%dma_start3A_21 : memref<10240xf32, #tpu.memory_space<vmem_shared>>) offsets(%dma_start3A_19 : memref<125xi32, #tpu.memory_space<vmem>>) semaphore(%run_scoped3A : memref<!tpu.dma_semaphore, #tpu.memory_space<semaphore_mem>>) {add = true}
        %dma_wait3A = arith.constant 0 : i32
        %dma_wait3A_22 = tpu.memref_slice %arg6[%scan3A_17, %dma_wait3A] : memref<80x125xi32, #tpu.memory_space<vmem>> -> memref<1x125xi32, #tpu.memory_space<vmem>>
        %dma_wait3A_23 = tpu.memref_squeeze %dma_wait3A_22 : memref<1x125xi32, #tpu.memory_space<vmem>> -> memref<125xi32, #tpu.memory_space<vmem>>
        %dma_wait3A_24 = arith.constant 0 : i32
        %dma_wait3A_25 = tpu.memref_slice %arg8[%dma_wait3A_24] : memref<10240xf32, #tpu.memory_space<vmem_shared>> -> memref<10240xf32, #tpu.memory_space<vmem_shared>>
        tpu.wait_indirect_dma semaphore(%run_scoped3A : memref<!tpu.dma_semaphore, #tpu.memory_space<semaphore_mem>>) src(%arg7 : memref<125xf32, #tpu.memory_space<vmem>>) dst(%dma_wait3A_25 : memref<10240xf32, #tpu.memory_space<vmem_shared>>)
        tpu.yield
      }) : () -> ()
    }
    %scan3A_11 = arith.constant 80 : i32
    %barrier3A_12 = arith.constant 0 : index
    tpu.barrier barrier_id(%barrier3A_12)
    %mul3A_13 = arith.constant 640 : i32
    %mul3A_14 = arith.muli %arg1, %mul3A_13 : i32
    %mul3A_15 = arith.constant 640 : i32
    %mul3A_16 = arith.muli %arg1, %mul3A_15 : i32
    "tpu.region"() ({
      %run_scoped3A = tpu.sem_alloc : memref<!tpu.dma_semaphore, #tpu.memory_space<semaphore_mem>>
      %dma_start3A = tpu.memref_slice %arg5[%arg0, %mul3A_16] : memref<2x10240xf32, #tpu.memory_space<hbm>> -> memref<1x640xf32, #tpu.memory_space<hbm>>
      %dma_start3A_17 = tpu.memref_squeeze %dma_start3A : memref<1x640xf32, #tpu.memory_space<hbm>> -> memref<640xf32, #tpu.memory_space<hbm>>
      %dma_start3A_18 = tpu.memref_slice %arg8[%mul3A_14] : memref<10240xf32, #tpu.memory_space<vmem_shared>> -> memref<640xf32, #tpu.memory_space<vmem_shared>>
      tpu.enqueue_dma source(%dma_start3A_18 : memref<640xf32, #tpu.memory_space<vmem_shared>>) target(%dma_start3A_17 : memref<640xf32, #tpu.memory_space<hbm>>) target_semaphore(%run_scoped3A : memref<!tpu.dma_semaphore, #tpu.memory_space<semaphore_mem>>)
      %dma_wait3A = tpu.memref_slice %arg5[%arg0, %mul3A_16] : memref<2x10240xf32, #tpu.memory_space<hbm>> -> memref<1x640xf32, #tpu.memory_space<hbm>>
      %dma_wait3A_19 = tpu.memref_squeeze %dma_wait3A : memref<1x640xf32, #tpu.memory_space<hbm>> -> memref<640xf32, #tpu.memory_space<hbm>>
      %dma_wait3A_20 = tpu.memref_slice %arg8[%mul3A_14] : memref<10240xf32, #tpu.memory_space<vmem_shared>> -> memref<640xf32, #tpu.memory_space<vmem_shared>>
      tpu.wait_dma2 semaphore(%run_scoped3A : memref<!tpu.dma_semaphore, #tpu.memory_space<semaphore_mem>>) src(%dma_wait3A_20 : memref<640xf32, #tpu.memory_space<vmem_shared>>) dst(%dma_wait3A_19 : memref<640xf32, #tpu.memory_space<hbm>>)
      tpu.yield
    }) : () -> ()
    return
  }
}

#map = affine_map<(d0, d1) -> (0, 0)>
#map1 = affine_map<(d0, d1) -> (0, 0, 0)>
module attributes {stable_mosaic.version = 14 : i64} {
  func.func @agg_kernel(%arg0: i32, %arg1: i32, %arg2: memref<10000x64xf32, #tpu.memory_space<hbm>>, %arg3: memref<64x80x125xi32, #tpu.memory_space<hbm>>, %arg4: memref<10240x64xf32, #tpu.memory_space<hbm>>, %arg5: memref<2x10240x64xf32, #tpu.memory_space<hbm>>, %arg6: memref<80x125xi32, #tpu.memory_space<vmem>>, %arg7: memref<80x125xi32, #tpu.memory_space<vmem>>, %arg8: memref<125x64xf32, #tpu.memory_space<vmem>>, %arg9: memref<125x64xf32, #tpu.memory_space<vmem>>, %arg10: memref<125x64xf32, #tpu.memory_space<vmem>>, %arg11: memref<125x64xf32, #tpu.memory_space<vmem>>, %arg12: memref<!tpu.dma_semaphore, #tpu.memory_space<semaphore_mem>>, %arg13: memref<!tpu.dma_semaphore, #tpu.memory_space<semaphore_mem>>, %arg14: memref<!tpu.dma_semaphore, #tpu.memory_space<semaphore_mem>>, %arg15: memref<!tpu.dma_semaphore, #tpu.memory_space<semaphore_mem>>, %arg16: memref<!tpu.dma_semaphore, #tpu.memory_space<semaphore_mem>>, %arg17: memref<!tpu.dma_semaphore, #tpu.memory_space<semaphore_mem>>, %arg18: memref<!tpu.dma_semaphore, #tpu.memory_space<semaphore_mem>>, %arg19: memref<!tpu.dma_semaphore, #tpu.memory_space<semaphore_mem>>, %arg20: memref<10240x64xf32, #tpu.memory_space<vmem_shared>>) attributes {dimension_semantics = [#tpu.dimension_semantics<core_parallel>, #tpu.dimension_semantics<subcore_parallel>], iteration_bounds = array<i64: 2, 16>, scalar_prefetch = 0 : i64, scratch_operands = 15 : i64, tpu.core_type = #tpu.core_type<sc_vector_subcore>, window_params = [{transform_indices = #map}, {transform_indices = #map1}, {transform_indices = #map}, {transform_indices = #map1}]} {
    %mul3A = arith.constant 16 : i32
    %mul3A_0 = arith.muli %arg0, %mul3A : i32
    %add3A = arith.addi %mul3A_0, %arg1 : i32
    %mul3A_1 = arith.constant 640 : i32
    %mul3A_2 = arith.muli %arg1, %mul3A_1 : i32
    %mul3A_3 = arith.constant 640 : i32
    %mul3A_4 = arith.muli %arg1, %mul3A_3 : i32
    "tpu.region"() ({
      %run_scoped3A = tpu.sem_alloc : memref<!tpu.dma_semaphore, #tpu.memory_space<semaphore_mem>>
      %dma_start3A_57 = arith.constant 0 : i32
      %dma_start3A_58 = tpu.memref_slice %arg20[%mul3A_4, %dma_start3A_57] : memref<10240x64xf32, #tpu.memory_space<vmem_shared>> -> memref<640x64xf32, #tpu.memory_space<vmem_shared>>
      %dma_start3A_59 = arith.constant 0 : i32
      %dma_start3A_60 = tpu.memref_slice %arg4[%mul3A_2, %dma_start3A_59] : memref<10240x64xf32, #tpu.memory_space<hbm>> -> memref<640x64xf32, #tpu.memory_space<hbm>>
      tpu.enqueue_dma source(%dma_start3A_60 : memref<640x64xf32, #tpu.memory_space<hbm>>) target(%dma_start3A_58 : memref<640x64xf32, #tpu.memory_space<vmem_shared>>) target_semaphore(%run_scoped3A : memref<!tpu.dma_semaphore, #tpu.memory_space<semaphore_mem>>)
      %dma_wait3A_61 = arith.constant 0 : i32
      %dma_wait3A_62 = tpu.memref_slice %arg20[%mul3A_4, %dma_wait3A_61] : memref<10240x64xf32, #tpu.memory_space<vmem_shared>> -> memref<640x64xf32, #tpu.memory_space<vmem_shared>>
      %dma_wait3A_63 = arith.constant 0 : i32
      %dma_wait3A_64 = tpu.memref_slice %arg4[%mul3A_2, %dma_wait3A_63] : memref<10240x64xf32, #tpu.memory_space<hbm>> -> memref<640x64xf32, #tpu.memory_space<hbm>>
      tpu.wait_dma2 semaphore(%run_scoped3A : memref<!tpu.dma_semaphore, #tpu.memory_space<semaphore_mem>>) src(%dma_wait3A_64 : memref<640x64xf32, #tpu.memory_space<hbm>>) dst(%dma_wait3A_62 : memref<640x64xf32, #tpu.memory_space<vmem_shared>>)
      tpu.yield
    }) : () -> ()
    "tpu.region"() ({
      %run_scoped3A = tpu.sem_alloc : memref<!tpu.dma_semaphore, #tpu.memory_space<semaphore_mem>>
      %dma_start3A_57 = arith.constant 0 : i32
      %dma_start3A_58 = arith.constant 0 : i32
      %dma_start3A_59 = tpu.memref_slice %arg3[%add3A, %dma_start3A_57, %dma_start3A_58] : memref<64x80x125xi32, #tpu.memory_space<hbm>> -> memref<1x80x125xi32, #tpu.memory_space<hbm>>
      %dma_start3A_60 = tpu.memref_squeeze %dma_start3A_59 : memref<1x80x125xi32, #tpu.memory_space<hbm>> -> memref<80x125xi32, #tpu.memory_space<hbm>>
      %dma_start3A_61 = arith.constant 0 : i32
      %dma_start3A_62 = arith.constant 0 : i32
      %dma_start3A_63 = tpu.memref_slice %arg3[%add3A, %dma_start3A_61, %dma_start3A_62] : memref<64x80x125xi32, #tpu.memory_space<hbm>> -> memref<1x80x125xi32, #tpu.memory_space<hbm>>
      %dma_start3A_64 = tpu.memref_squeeze %dma_start3A_63 : memref<1x80x125xi32, #tpu.memory_space<hbm>> -> memref<80x125xi32, #tpu.memory_space<hbm>>
      tpu.enqueue_dma source(%dma_start3A_64 : memref<80x125xi32, #tpu.memory_space<hbm>>) target(%arg6 : memref<80x125xi32, #tpu.memory_space<vmem>>) target_semaphore(%run_scoped3A : memref<!tpu.dma_semaphore, #tpu.memory_space<semaphore_mem>>)
      %dma_wait3A_65 = arith.constant 0 : i32
      %dma_wait3A_66 = arith.constant 0 : i32
      %dma_wait3A_67 = tpu.memref_slice %arg3[%add3A, %dma_wait3A_65, %dma_wait3A_66] : memref<64x80x125xi32, #tpu.memory_space<hbm>> -> memref<1x80x125xi32, #tpu.memory_space<hbm>>
      %dma_wait3A_68 = tpu.memref_squeeze %dma_wait3A_67 : memref<1x80x125xi32, #tpu.memory_space<hbm>> -> memref<80x125xi32, #tpu.memory_space<hbm>>
      %dma_wait3A_69 = arith.constant 0 : i32
      %dma_wait3A_70 = arith.constant 0 : i32
      %dma_wait3A_71 = tpu.memref_slice %arg3[%add3A, %dma_wait3A_69, %dma_wait3A_70] : memref<64x80x125xi32, #tpu.memory_space<hbm>> -> memref<1x80x125xi32, #tpu.memory_space<hbm>>
      %dma_wait3A_72 = tpu.memref_squeeze %dma_wait3A_71 : memref<1x80x125xi32, #tpu.memory_space<hbm>> -> memref<80x125xi32, #tpu.memory_space<hbm>>
      tpu.wait_dma2 semaphore(%run_scoped3A : memref<!tpu.dma_semaphore, #tpu.memory_space<semaphore_mem>>) src(%dma_wait3A_72 : memref<80x125xi32, #tpu.memory_space<hbm>>) dst(%arg6 : memref<80x125xi32, #tpu.memory_space<vmem>>)
      tpu.yield
    }) : () -> ()
    %add3A_5 = arith.constant 32 : i32
    %add3A_6 = arith.addi %add3A_5, %add3A : i32
    "tpu.region"() ({
      %run_scoped3A = tpu.sem_alloc : memref<!tpu.dma_semaphore, #tpu.memory_space<semaphore_mem>>
      %dma_start3A_57 = arith.constant 0 : i32
      %dma_start3A_58 = arith.constant 0 : i32
      %dma_start3A_59 = tpu.memref_slice %arg3[%add3A_6, %dma_start3A_57, %dma_start3A_58] : memref<64x80x125xi32, #tpu.memory_space<hbm>> -> memref<1x80x125xi32, #tpu.memory_space<hbm>>
      %dma_start3A_60 = tpu.memref_squeeze %dma_start3A_59 : memref<1x80x125xi32, #tpu.memory_space<hbm>> -> memref<80x125xi32, #tpu.memory_space<hbm>>
      %dma_start3A_61 = arith.constant 0 : i32
      %dma_start3A_62 = arith.constant 0 : i32
      %dma_start3A_63 = tpu.memref_slice %arg3[%add3A_6, %dma_start3A_61, %dma_start3A_62] : memref<64x80x125xi32, #tpu.memory_space<hbm>> -> memref<1x80x125xi32, #tpu.memory_space<hbm>>
      %dma_start3A_64 = tpu.memref_squeeze %dma_start3A_63 : memref<1x80x125xi32, #tpu.memory_space<hbm>> -> memref<80x125xi32, #tpu.memory_space<hbm>>
      tpu.enqueue_dma source(%dma_start3A_64 : memref<80x125xi32, #tpu.memory_space<hbm>>) target(%arg7 : memref<80x125xi32, #tpu.memory_space<vmem>>) target_semaphore(%run_scoped3A : memref<!tpu.dma_semaphore, #tpu.memory_space<semaphore_mem>>)
      %dma_wait3A_65 = arith.constant 0 : i32
      %dma_wait3A_66 = arith.constant 0 : i32
      %dma_wait3A_67 = tpu.memref_slice %arg3[%add3A_6, %dma_wait3A_65, %dma_wait3A_66] : memref<64x80x125xi32, #tpu.memory_space<hbm>> -> memref<1x80x125xi32, #tpu.memory_space<hbm>>
      %dma_wait3A_68 = tpu.memref_squeeze %dma_wait3A_67 : memref<1x80x125xi32, #tpu.memory_space<hbm>> -> memref<80x125xi32, #tpu.memory_space<hbm>>
      %dma_wait3A_69 = arith.constant 0 : i32
      %dma_wait3A_70 = arith.constant 0 : i32
      %dma_wait3A_71 = tpu.memref_slice %arg3[%add3A_6, %dma_wait3A_69, %dma_wait3A_70] : memref<64x80x125xi32, #tpu.memory_space<hbm>> -> memref<1x80x125xi32, #tpu.memory_space<hbm>>
      %dma_wait3A_72 = tpu.memref_squeeze %dma_wait3A_71 : memref<1x80x125xi32, #tpu.memory_space<hbm>> -> memref<80x125xi32, #tpu.memory_space<hbm>>
      tpu.wait_dma2 semaphore(%run_scoped3A : memref<!tpu.dma_semaphore, #tpu.memory_space<semaphore_mem>>) src(%dma_wait3A_72 : memref<80x125xi32, #tpu.memory_space<hbm>>) dst(%arg7 : memref<80x125xi32, #tpu.memory_space<vmem>>)
      tpu.yield
    }) : () -> ()
    %barrier3A = arith.constant 0 : index
    tpu.barrier barrier_id(%barrier3A)
    %dma_start3A = arith.constant 0 : i32
    %dma_start3A_7 = arith.constant 0 : i32
    %dma_start3A_8 = tpu.memref_slice %arg6[%dma_start3A, %dma_start3A_7] : memref<80x125xi32, #tpu.memory_space<vmem>> -> memref<1x125xi32, #tpu.memory_space<vmem>>
    %dma_start3A_9 = tpu.memref_squeeze %dma_start3A_8 : memref<1x125xi32, #tpu.memory_space<vmem>> -> memref<125xi32, #tpu.memory_space<vmem>>
    %dma_start3A_10 = arith.constant 0 : i32
    %dma_start3A_11 = arith.constant 0 : i32
    %dma_start3A_12 = tpu.memref_slice %arg2[%dma_start3A_10, %dma_start3A_11] : memref<10000x64xf32, #tpu.memory_space<hbm>> -> memref<10000x64xf32, #tpu.memory_space<hbm>>
    tpu.enqueue_indirect_dma source(%dma_start3A_12 : memref<10000x64xf32, #tpu.memory_space<hbm>>) target(%arg8 : memref<125x64xf32, #tpu.memory_space<vmem>>) offsets(%dma_start3A_9 : memref<125xi32, #tpu.memory_space<vmem>>) semaphore(%arg12 : memref<!tpu.dma_semaphore, #tpu.memory_space<semaphore_mem>>)
    %dma_start3A_13 = arith.constant 1 : i32
    %dma_start3A_14 = arith.constant 0 : i32
    %dma_start3A_15 = tpu.memref_slice %arg6[%dma_start3A_13, %dma_start3A_14] : memref<80x125xi32, #tpu.memory_space<vmem>> -> memref<1x125xi32, #tpu.memory_space<vmem>>
    %dma_start3A_16 = tpu.memref_squeeze %dma_start3A_15 : memref<1x125xi32, #tpu.memory_space<vmem>> -> memref<125xi32, #tpu.memory_space<vmem>>
    %dma_start3A_17 = arith.constant 0 : i32
    %dma_start3A_18 = arith.constant 0 : i32
    %dma_start3A_19 = tpu.memref_slice %arg2[%dma_start3A_17, %dma_start3A_18] : memref<10000x64xf32, #tpu.memory_space<hbm>> -> memref<10000x64xf32, #tpu.memory_space<hbm>>
    tpu.enqueue_indirect_dma source(%dma_start3A_19 : memref<10000x64xf32, #tpu.memory_space<hbm>>) target(%arg9 : memref<125x64xf32, #tpu.memory_space<vmem>>) offsets(%dma_start3A_16 : memref<125xi32, #tpu.memory_space<vmem>>) semaphore(%arg13 : memref<!tpu.dma_semaphore, #tpu.memory_space<semaphore_mem>>)
    %scan3A = arith.constant 0 : i32
    %scan3A_20 = arith.constant 0 : i32
    %scan3A_21 = arith.constant 20 : i32
    %scan3A_22 = arith.addi %scan3A_20, %scan3A_21 : i32
    %scan3A_23 = arith.constant 1 : i32
    scf.for %scan3A_57 = %scan3A_20 to %scan3A_22 step %scan3A_23  : i32 {
      %mul3A_58 = arith.constant 4 : i32
      %mul3A_59 = arith.muli %mul3A_58, %scan3A_57 : i32
      %add3A_60 = arith.constant 0 : i32
      %add3A_61 = arith.addi %mul3A_59, %add3A_60 : i32
      %ge3A = arith.constant 2 : i32
      %ge3A_62 = arith.cmpi sge, %add3A_61, %ge3A : i32
      %add3A_63 = arith.constant 2 : i32
      %add3A_64 = arith.addi %add3A_61, %add3A_63 : i32
      %lt3A = arith.constant 80 : i32
      %lt3A_65 = arith.cmpi slt, %add3A_64, %lt3A : i32
      %and3A = arith.andi %ge3A_62, %lt3A_65 : i1
      %convert_element_type3A = arith.extui %and3A : i1 to i32
      %cond3A = arith.constant 0 : i32
      %cond3A_66 = arith.cmpi ne, %convert_element_type3A, %cond3A : i32
      scf.if %cond3A_66 {
        %sub3A = arith.constant 2 : i32
        %sub3A_185 = arith.subi %add3A_61, %sub3A : i32
        %dma_wait3A_186 = arith.constant 0 : i32
        %dma_wait3A_187 = tpu.memref_slice %arg7[%sub3A_185, %dma_wait3A_186] : memref<80x125xi32, #tpu.memory_space<vmem>> -> memref<1x125xi32, #tpu.memory_space<vmem>>
        %dma_wait3A_188 = tpu.memref_squeeze %dma_wait3A_187 : memref<1x125xi32, #tpu.memory_space<vmem>> -> memref<125xi32, #tpu.memory_space<vmem>>
        %dma_wait3A_189 = arith.constant 0 : i32
        %dma_wait3A_190 = arith.constant 0 : i32
        %dma_wait3A_191 = tpu.memref_slice %arg20[%dma_wait3A_189, %dma_wait3A_190] : memref<10240x64xf32, #tpu.memory_space<vmem_shared>> -> memref<10240x64xf32, #tpu.memory_space<vmem_shared>>
        tpu.wait_indirect_dma semaphore(%arg18 : memref<!tpu.dma_semaphore, #tpu.memory_space<semaphore_mem>>) src(%arg10 : memref<125x64xf32, #tpu.memory_space<vmem>>) dst(%dma_wait3A_191 : memref<10240x64xf32, #tpu.memory_space<vmem_shared>>)
      } else {
      }
      %add3A_67 = arith.constant 2 : i32
      %add3A_68 = arith.addi %add3A_61, %add3A_67 : i32
      %lt3A_69 = arith.constant 80 : i32
      %lt3A_70 = arith.cmpi slt, %add3A_68, %lt3A_69 : i32
      %convert_element_type3A_71 = arith.extui %lt3A_70 : i1 to i32
      %cond3A_72 = arith.constant 0 : i32
      %cond3A_73 = arith.cmpi ne, %convert_element_type3A_71, %cond3A_72 : i32
      scf.if %cond3A_73 {
        %add3A_185 = arith.constant 2 : i32
        %add3A_186 = arith.addi %add3A_61, %add3A_185 : i32
        %dma_start3A_187 = arith.constant 0 : i32
        %dma_start3A_188 = tpu.memref_slice %arg6[%add3A_186, %dma_start3A_187] : memref<80x125xi32, #tpu.memory_space<vmem>> -> memref<1x125xi32, #tpu.memory_space<vmem>>
        %dma_start3A_189 = tpu.memref_squeeze %dma_start3A_188 : memref<1x125xi32, #tpu.memory_space<vmem>> -> memref<125xi32, #tpu.memory_space<vmem>>
        %dma_start3A_190 = arith.constant 0 : i32
        %dma_start3A_191 = arith.constant 0 : i32
        %dma_start3A_192 = tpu.memref_slice %arg2[%dma_start3A_190, %dma_start3A_191] : memref<10000x64xf32, #tpu.memory_space<hbm>> -> memref<10000x64xf32, #tpu.memory_space<hbm>>
        tpu.enqueue_indirect_dma source(%dma_start3A_192 : memref<10000x64xf32, #tpu.memory_space<hbm>>) target(%arg10 : memref<125x64xf32, #tpu.memory_space<vmem>>) offsets(%dma_start3A_189 : memref<125xi32, #tpu.memory_space<vmem>>) semaphore(%arg14 : memref<!tpu.dma_semaphore, #tpu.memory_space<semaphore_mem>>)
      } else {
      }
      %dma_wait3A_74 = arith.constant 0 : i32
      %dma_wait3A_75 = tpu.memref_slice %arg6[%add3A_61, %dma_wait3A_74] : memref<80x125xi32, #tpu.memory_space<vmem>> -> memref<1x125xi32, #tpu.memory_space<vmem>>
      %dma_wait3A_76 = tpu.memref_squeeze %dma_wait3A_75 : memref<1x125xi32, #tpu.memory_space<vmem>> -> memref<125xi32, #tpu.memory_space<vmem>>
      %dma_wait3A_77 = arith.constant 0 : i32
      %dma_wait3A_78 = arith.constant 0 : i32
      %dma_wait3A_79 = tpu.memref_slice %arg2[%dma_wait3A_77, %dma_wait3A_78] : memref<10000x64xf32, #tpu.memory_space<hbm>> -> memref<10000x64xf32, #tpu.memory_space<hbm>>
      tpu.wait_indirect_dma semaphore(%arg12 : memref<!tpu.dma_semaphore, #tpu.memory_space<semaphore_mem>>) src(%dma_wait3A_79 : memref<10000x64xf32, #tpu.memory_space<hbm>>) dst(%arg8 : memref<125x64xf32, #tpu.memory_space<vmem>>)
      %dma_start3A_80 = arith.constant 0 : i32
      %dma_start3A_81 = tpu.memref_slice %arg7[%add3A_61, %dma_start3A_80] : memref<80x125xi32, #tpu.memory_space<vmem>> -> memref<1x125xi32, #tpu.memory_space<vmem>>
      %dma_start3A_82 = tpu.memref_squeeze %dma_start3A_81 : memref<1x125xi32, #tpu.memory_space<vmem>> -> memref<125xi32, #tpu.memory_space<vmem>>
      %dma_start3A_83 = arith.constant 0 : i32
      %dma_start3A_84 = arith.constant 0 : i32
      %dma_start3A_85 = tpu.memref_slice %arg20[%dma_start3A_83, %dma_start3A_84] : memref<10240x64xf32, #tpu.memory_space<vmem_shared>> -> memref<10240x64xf32, #tpu.memory_space<vmem_shared>>
      tpu.enqueue_indirect_dma source(%arg8 : memref<125x64xf32, #tpu.memory_space<vmem>>) target(%dma_start3A_85 : memref<10240x64xf32, #tpu.memory_space<vmem_shared>>) offsets(%dma_start3A_82 : memref<125xi32, #tpu.memory_space<vmem>>) semaphore(%arg16 : memref<!tpu.dma_semaphore, #tpu.memory_space<semaphore_mem>>) {add = true}
      %mul3A_86 = arith.constant 4 : i32
      %mul3A_87 = arith.muli %mul3A_86, %scan3A_57 : i32
      %add3A_88 = arith.constant 1 : i32
      %add3A_89 = arith.addi %mul3A_87, %add3A_88 : i32
      %ge3A_90 = arith.constant 2 : i32
      %ge3A_91 = arith.cmpi sge, %add3A_89, %ge3A_90 : i32
      %add3A_92 = arith.constant 2 : i32
      %add3A_93 = arith.addi %add3A_89, %add3A_92 : i32
      %lt3A_94 = arith.constant 80 : i32
      %lt3A_95 = arith.cmpi slt, %add3A_93, %lt3A_94 : i32
      %and3A_96 = arith.andi %ge3A_91, %lt3A_95 : i1
      %convert_element_type3A_97 = arith.extui %and3A_96 : i1 to i32
      %cond3A_98 = arith.constant 0 : i32
      %cond3A_99 = arith.cmpi ne, %convert_element_type3A_97, %cond3A_98 : i32
      scf.if %cond3A_99 {
        %sub3A = arith.constant 2 : i32
        %sub3A_185 = arith.subi %add3A_89, %sub3A : i32
        %dma_wait3A_186 = arith.constant 0 : i32
        %dma_wait3A_187 = tpu.memref_slice %arg7[%sub3A_185, %dma_wait3A_186] : memref<80x125xi32, #tpu.memory_space<vmem>> -> memref<1x125xi32, #tpu.memory_space<vmem>>
        %dma_wait3A_188 = tpu.memref_squeeze %dma_wait3A_187 : memref<1x125xi32, #tpu.memory_space<vmem>> -> memref<125xi32, #tpu.memory_space<vmem>>
        %dma_wait3A_189 = arith.constant 0 : i32
        %dma_wait3A_190 = arith.constant 0 : i32
        %dma_wait3A_191 = tpu.memref_slice %arg20[%dma_wait3A_189, %dma_wait3A_190] : memref<10240x64xf32, #tpu.memory_space<vmem_shared>> -> memref<10240x64xf32, #tpu.memory_space<vmem_shared>>
        tpu.wait_indirect_dma semaphore(%arg19 : memref<!tpu.dma_semaphore, #tpu.memory_space<semaphore_mem>>) src(%arg11 : memref<125x64xf32, #tpu.memory_space<vmem>>) dst(%dma_wait3A_191 : memref<10240x64xf32, #tpu.memory_space<vmem_shared>>)
      } else {
      }
      %add3A_100 = arith.constant 2 : i32
      %add3A_101 = arith.addi %add3A_89, %add3A_100 : i32
      %lt3A_102 = arith.constant 80 : i32
      %lt3A_103 = arith.cmpi slt, %add3A_101, %lt3A_102 : i32
      %convert_element_type3A_104 = arith.extui %lt3A_103 : i1 to i32
      %cond3A_105 = arith.constant 0 : i32
      %cond3A_106 = arith.cmpi ne, %convert_element_type3A_104, %cond3A_105 : i32
      scf.if %cond3A_106 {
        %add3A_185 = arith.constant 2 : i32
        %add3A_186 = arith.addi %add3A_89, %add3A_185 : i32
        %dma_start3A_187 = arith.constant 0 : i32
        %dma_start3A_188 = tpu.memref_slice %arg6[%add3A_186, %dma_start3A_187] : memref<80x125xi32, #tpu.memory_space<vmem>> -> memref<1x125xi32, #tpu.memory_space<vmem>>
        %dma_start3A_189 = tpu.memref_squeeze %dma_start3A_188 : memref<1x125xi32, #tpu.memory_space<vmem>> -> memref<125xi32, #tpu.memory_space<vmem>>
        %dma_start3A_190 = arith.constant 0 : i32
        %dma_start3A_191 = arith.constant 0 : i32
        %dma_start3A_192 = tpu.memref_slice %arg2[%dma_start3A_190, %dma_start3A_191] : memref<10000x64xf32, #tpu.memory_space<hbm>> -> memref<10000x64xf32, #tpu.memory_space<hbm>>
        tpu.enqueue_indirect_dma source(%dma_start3A_192 : memref<10000x64xf32, #tpu.memory_space<hbm>>) target(%arg11 : memref<125x64xf32, #tpu.memory_space<vmem>>) offsets(%dma_start3A_189 : memref<125xi32, #tpu.memory_space<vmem>>) semaphore(%arg15 : memref<!tpu.dma_semaphore, #tpu.memory_space<semaphore_mem>>)
      } else {
      }
      %dma_wait3A_107 = arith.constant 0 : i32
      %dma_wait3A_108 = tpu.memref_slice %arg6[%add3A_89, %dma_wait3A_107] : memref<80x125xi32, #tpu.memory_space<vmem>> -> memref<1x125xi32, #tpu.memory_space<vmem>>
      %dma_wait3A_109 = tpu.memref_squeeze %dma_wait3A_108 : memref<1x125xi32, #tpu.memory_space<vmem>> -> memref<125xi32, #tpu.memory_space<vmem>>
      %dma_wait3A_110 = arith.constant 0 : i32
      %dma_wait3A_111 = arith.constant 0 : i32
      %dma_wait3A_112 = tpu.memref_slice %arg2[%dma_wait3A_110, %dma_wait3A_111] : memref<10000x64xf32, #tpu.memory_space<hbm>> -> memref<10000x64xf32, #tpu.memory_space<hbm>>
      tpu.wait_indirect_dma semaphore(%arg13 : memref<!tpu.dma_semaphore, #tpu.memory_space<semaphore_mem>>) src(%dma_wait3A_112 : memref<10000x64xf32, #tpu.memory_space<hbm>>) dst(%arg9 : memref<125x64xf32, #tpu.memory_space<vmem>>)
      %dma_start3A_113 = arith.constant 0 : i32
      %dma_start3A_114 = tpu.memref_slice %arg7[%add3A_89, %dma_start3A_113] : memref<80x125xi32, #tpu.memory_space<vmem>> -> memref<1x125xi32, #tpu.memory_space<vmem>>
      %dma_start3A_115 = tpu.memref_squeeze %dma_start3A_114 : memref<1x125xi32, #tpu.memory_space<vmem>> -> memref<125xi32, #tpu.memory_space<vmem>>
      %dma_start3A_116 = arith.constant 0 : i32
      %dma_start3A_117 = arith.constant 0 : i32
      %dma_start3A_118 = tpu.memref_slice %arg20[%dma_start3A_116, %dma_start3A_117] : memref<10240x64xf32, #tpu.memory_space<vmem_shared>> -> memref<10240x64xf32, #tpu.memory_space<vmem_shared>>
      tpu.enqueue_indirect_dma source(%arg9 : memref<125x64xf32, #tpu.memory_space<vmem>>) target(%dma_start3A_118 : memref<10240x64xf32, #tpu.memory_space<vmem_shared>>) offsets(%dma_start3A_115 : memref<125xi32, #tpu.memory_space<vmem>>) semaphore(%arg17 : memref<!tpu.dma_semaphore, #tpu.memory_space<semaphore_mem>>) {add = true}
      %mul3A_119 = arith.constant 4 : i32
      %mul3A_120 = arith.muli %mul3A_119, %scan3A_57 : i32
      %add3A_121 = arith.constant 2 : i32
      %add3A_122 = arith.addi %mul3A_120, %add3A_121 : i32
      %ge3A_123 = arith.constant 2 : i32
      %ge3A_124 = arith.cmpi sge, %add3A_122, %ge3A_123 : i32
      %add3A_125 = arith.constant 2 : i32
      %add3A_126 = arith.addi %add3A_122, %add3A_125 : i32
      %lt3A_127 = arith.constant 80 : i32
      %lt3A_128 = arith.cmpi slt, %add3A_126, %lt3A_127 : i32
      %and3A_129 = arith.andi %ge3A_124, %lt3A_128 : i1
      %convert_element_type3A_130 = arith.extui %and3A_129 : i1 to i32
      %cond3A_131 = arith.constant 0 : i32
      %cond3A_132 = arith.cmpi ne, %convert_element_type3A_130, %cond3A_131 : i32
      scf.if %cond3A_132 {
        %sub3A = arith.constant 2 : i32
        %sub3A_185 = arith.subi %add3A_122, %sub3A : i32
        %dma_wait3A_186 = arith.constant 0 : i32
        %dma_wait3A_187 = tpu.memref_slice %arg7[%sub3A_185, %dma_wait3A_186] : memref<80x125xi32, #tpu.memory_space<vmem>> -> memref<1x125xi32, #tpu.memory_space<vmem>>
        %dma_wait3A_188 = tpu.memref_squeeze %dma_wait3A_187 : memref<1x125xi32, #tpu.memory_space<vmem>> -> memref<125xi32, #tpu.memory_space<vmem>>
        %dma_wait3A_189 = arith.constant 0 : i32
        %dma_wait3A_190 = arith.constant 0 : i32
        %dma_wait3A_191 = tpu.memref_slice %arg20[%dma_wait3A_189, %dma_wait3A_190] : memref<10240x64xf32, #tpu.memory_space<vmem_shared>> -> memref<10240x64xf32, #tpu.memory_space<vmem_shared>>
        tpu.wait_indirect_dma semaphore(%arg16 : memref<!tpu.dma_semaphore, #tpu.memory_space<semaphore_mem>>) src(%arg8 : memref<125x64xf32, #tpu.memory_space<vmem>>) dst(%dma_wait3A_191 : memref<10240x64xf32, #tpu.memory_space<vmem_shared>>)
      } else {
      }
      %add3A_133 = arith.constant 2 : i32
      %add3A_134 = arith.addi %add3A_122, %add3A_133 : i32
      %lt3A_135 = arith.constant 80 : i32
      %lt3A_136 = arith.cmpi slt, %add3A_134, %lt3A_135 : i32
      %convert_element_type3A_137 = arith.extui %lt3A_136 : i1 to i32
      %cond3A_138 = arith.constant 0 : i32
      %cond3A_139 = arith.cmpi ne, %convert_element_type3A_137, %cond3A_138 : i32
      scf.if %cond3A_139 {
        %add3A_185 = arith.constant 2 : i32
        %add3A_186 = arith.addi %add3A_122, %add3A_185 : i32
        %dma_start3A_187 = arith.constant 0 : i32
        %dma_start3A_188 = tpu.memref_slice %arg6[%add3A_186, %dma_start3A_187] : memref<80x125xi32, #tpu.memory_space<vmem>> -> memref<1x125xi32, #tpu.memory_space<vmem>>
        %dma_start3A_189 = tpu.memref_squeeze %dma_start3A_188 : memref<1x125xi32, #tpu.memory_space<vmem>> -> memref<125xi32, #tpu.memory_space<vmem>>
        %dma_start3A_190 = arith.constant 0 : i32
        %dma_start3A_191 = arith.constant 0 : i32
        %dma_start3A_192 = tpu.memref_slice %arg2[%dma_start3A_190, %dma_start3A_191] : memref<10000x64xf32, #tpu.memory_space<hbm>> -> memref<10000x64xf32, #tpu.memory_space<hbm>>
        tpu.enqueue_indirect_dma source(%dma_start3A_192 : memref<10000x64xf32, #tpu.memory_space<hbm>>) target(%arg8 : memref<125x64xf32, #tpu.memory_space<vmem>>) offsets(%dma_start3A_189 : memref<125xi32, #tpu.memory_space<vmem>>) semaphore(%arg12 : memref<!tpu.dma_semaphore, #tpu.memory_space<semaphore_mem>>)
      } else {
      }
      %dma_wait3A_140 = arith.constant 0 : i32
      %dma_wait3A_141 = tpu.memref_slice %arg6[%add3A_122, %dma_wait3A_140] : memref<80x125xi32, #tpu.memory_space<vmem>> -> memref<1x125xi32, #tpu.memory_space<vmem>>
      %dma_wait3A_142 = tpu.memref_squeeze %dma_wait3A_141 : memref<1x125xi32, #tpu.memory_space<vmem>> -> memref<125xi32, #tpu.memory_space<vmem>>
      %dma_wait3A_143 = arith.constant 0 : i32
      %dma_wait3A_144 = arith.constant 0 : i32
      %dma_wait3A_145 = tpu.memref_slice %arg2[%dma_wait3A_143, %dma_wait3A_144] : memref<10000x64xf32, #tpu.memory_space<hbm>> -> memref<10000x64xf32, #tpu.memory_space<hbm>>
      tpu.wait_indirect_dma semaphore(%arg14 : memref<!tpu.dma_semaphore, #tpu.memory_space<semaphore_mem>>) src(%dma_wait3A_145 : memref<10000x64xf32, #tpu.memory_space<hbm>>) dst(%arg10 : memref<125x64xf32, #tpu.memory_space<vmem>>)
      %dma_start3A_146 = arith.constant 0 : i32
      %dma_start3A_147 = tpu.memref_slice %arg7[%add3A_122, %dma_start3A_146] : memref<80x125xi32, #tpu.memory_space<vmem>> -> memref<1x125xi32, #tpu.memory_space<vmem>>
      %dma_start3A_148 = tpu.memref_squeeze %dma_start3A_147 : memref<1x125xi32, #tpu.memory_space<vmem>> -> memref<125xi32, #tpu.memory_space<vmem>>
      %dma_start3A_149 = arith.constant 0 : i32
      %dma_start3A_150 = arith.constant 0 : i32
      %dma_start3A_151 = tpu.memref_slice %arg20[%dma_start3A_149, %dma_start3A_150] : memref<10240x64xf32, #tpu.memory_space<vmem_shared>> -> memref<10240x64xf32, #tpu.memory_space<vmem_shared>>
      tpu.enqueue_indirect_dma source(%arg10 : memref<125x64xf32, #tpu.memory_space<vmem>>) target(%dma_start3A_151 : memref<10240x64xf32, #tpu.memory_space<vmem_shared>>) offsets(%dma_start3A_148 : memref<125xi32, #tpu.memory_space<vmem>>) semaphore(%arg18 : memref<!tpu.dma_semaphore, #tpu.memory_space<semaphore_mem>>) {add = true}
      %mul3A_152 = arith.constant 4 : i32
      %mul3A_153 = arith.muli %mul3A_152, %scan3A_57 : i32
      %add3A_154 = arith.constant 3 : i32
      %add3A_155 = arith.addi %mul3A_153, %add3A_154 : i32
      %ge3A_156 = arith.constant 2 : i32
      %ge3A_157 = arith.cmpi sge, %add3A_155, %ge3A_156 : i32
      %add3A_158 = arith.constant 2 : i32
      %add3A_159 = arith.addi %add3A_155, %add3A_158 : i32
      %lt3A_160 = arith.constant 80 : i32
      %lt3A_161 = arith.cmpi slt, %add3A_159, %lt3A_160 : i32
      %and3A_162 = arith.andi %ge3A_157, %lt3A_161 : i1
      %convert_element_type3A_163 = arith.extui %and3A_162 : i1 to i32
      %cond3A_164 = arith.constant 0 : i32
      %cond3A_165 = arith.cmpi ne, %convert_element_type3A_163, %cond3A_164 : i32
      scf.if %cond3A_165 {
        %sub3A = arith.constant 2 : i32
        %sub3A_185 = arith.subi %add3A_155, %sub3A : i32
        %dma_wait3A_186 = arith.constant 0 : i32
        %dma_wait3A_187 = tpu.memref_slice %arg7[%sub3A_185, %dma_wait3A_186] : memref<80x125xi32, #tpu.memory_space<vmem>> -> memref<1x125xi32, #tpu.memory_space<vmem>>
        %dma_wait3A_188 = tpu.memref_squeeze %dma_wait3A_187 : memref<1x125xi32, #tpu.memory_space<vmem>> -> memref<125xi32, #tpu.memory_space<vmem>>
        %dma_wait3A_189 = arith.constant 0 : i32
        %dma_wait3A_190 = arith.constant 0 : i32
        %dma_wait3A_191 = tpu.memref_slice %arg20[%dma_wait3A_189, %dma_wait3A_190] : memref<10240x64xf32, #tpu.memory_space<vmem_shared>> -> memref<10240x64xf32, #tpu.memory_space<vmem_shared>>
        tpu.wait_indirect_dma semaphore(%arg17 : memref<!tpu.dma_semaphore, #tpu.memory_space<semaphore_mem>>) src(%arg9 : memref<125x64xf32, #tpu.memory_space<vmem>>) dst(%dma_wait3A_191 : memref<10240x64xf32, #tpu.memory_space<vmem_shared>>)
      } else {
      }
      %add3A_166 = arith.constant 2 : i32
      %add3A_167 = arith.addi %add3A_155, %add3A_166 : i32
      %lt3A_168 = arith.constant 80 : i32
      %lt3A_169 = arith.cmpi slt, %add3A_167, %lt3A_168 : i32
      %convert_element_type3A_170 = arith.extui %lt3A_169 : i1 to i32
      %cond3A_171 = arith.constant 0 : i32
      %cond3A_172 = arith.cmpi ne, %convert_element_type3A_170, %cond3A_171 : i32
      scf.if %cond3A_172 {
        %add3A_185 = arith.constant 2 : i32
        %add3A_186 = arith.addi %add3A_155, %add3A_185 : i32
        %dma_start3A_187 = arith.constant 0 : i32
        %dma_start3A_188 = tpu.memref_slice %arg6[%add3A_186, %dma_start3A_187] : memref<80x125xi32, #tpu.memory_space<vmem>> -> memref<1x125xi32, #tpu.memory_space<vmem>>
        %dma_start3A_189 = tpu.memref_squeeze %dma_start3A_188 : memref<1x125xi32, #tpu.memory_space<vmem>> -> memref<125xi32, #tpu.memory_space<vmem>>
        %dma_start3A_190 = arith.constant 0 : i32
        %dma_start3A_191 = arith.constant 0 : i32
        %dma_start3A_192 = tpu.memref_slice %arg2[%dma_start3A_190, %dma_start3A_191] : memref<10000x64xf32, #tpu.memory_space<hbm>> -> memref<10000x64xf32, #tpu.memory_space<hbm>>
        tpu.enqueue_indirect_dma source(%dma_start3A_192 : memref<10000x64xf32, #tpu.memory_space<hbm>>) target(%arg9 : memref<125x64xf32, #tpu.memory_space<vmem>>) offsets(%dma_start3A_189 : memref<125xi32, #tpu.memory_space<vmem>>) semaphore(%arg13 : memref<!tpu.dma_semaphore, #tpu.memory_space<semaphore_mem>>)
      } else {
      }
      %dma_wait3A_173 = arith.constant 0 : i32
      %dma_wait3A_174 = tpu.memref_slice %arg6[%add3A_155, %dma_wait3A_173] : memref<80x125xi32, #tpu.memory_space<vmem>> -> memref<1x125xi32, #tpu.memory_space<vmem>>
      %dma_wait3A_175 = tpu.memref_squeeze %dma_wait3A_174 : memref<1x125xi32, #tpu.memory_space<vmem>> -> memref<125xi32, #tpu.memory_space<vmem>>
      %dma_wait3A_176 = arith.constant 0 : i32
      %dma_wait3A_177 = arith.constant 0 : i32
      %dma_wait3A_178 = tpu.memref_slice %arg2[%dma_wait3A_176, %dma_wait3A_177] : memref<10000x64xf32, #tpu.memory_space<hbm>> -> memref<10000x64xf32, #tpu.memory_space<hbm>>
      tpu.wait_indirect_dma semaphore(%arg15 : memref<!tpu.dma_semaphore, #tpu.memory_space<semaphore_mem>>) src(%dma_wait3A_178 : memref<10000x64xf32, #tpu.memory_space<hbm>>) dst(%arg11 : memref<125x64xf32, #tpu.memory_space<vmem>>)
      %dma_start3A_179 = arith.constant 0 : i32
      %dma_start3A_180 = tpu.memref_slice %arg7[%add3A_155, %dma_start3A_179] : memref<80x125xi32, #tpu.memory_space<vmem>> -> memref<1x125xi32, #tpu.memory_space<vmem>>
      %dma_start3A_181 = tpu.memref_squeeze %dma_start3A_180 : memref<1x125xi32, #tpu.memory_space<vmem>> -> memref<125xi32, #tpu.memory_space<vmem>>
      %dma_start3A_182 = arith.constant 0 : i32
      %dma_start3A_183 = arith.constant 0 : i32
      %dma_start3A_184 = tpu.memref_slice %arg20[%dma_start3A_182, %dma_start3A_183] : memref<10240x64xf32, #tpu.memory_space<vmem_shared>> -> memref<10240x64xf32, #tpu.memory_space<vmem_shared>>
      tpu.enqueue_indirect_dma source(%arg11 : memref<125x64xf32, #tpu.memory_space<vmem>>) target(%dma_start3A_184 : memref<10240x64xf32, #tpu.memory_space<vmem_shared>>) offsets(%dma_start3A_181 : memref<125xi32, #tpu.memory_space<vmem>>) semaphore(%arg19 : memref<!tpu.dma_semaphore, #tpu.memory_space<semaphore_mem>>) {add = true}
    }
    %scan3A_24 = arith.constant 20 : i32
    %dma_wait3A = arith.constant 76 : i32
    %dma_wait3A_25 = arith.constant 0 : i32
    %dma_wait3A_26 = tpu.memref_slice %arg7[%dma_wait3A, %dma_wait3A_25] : memref<80x125xi32, #tpu.memory_space<vmem>> -> memref<1x125xi32, #tpu.memory_space<vmem>>
    %dma_wait3A_27 = tpu.memref_squeeze %dma_wait3A_26 : memref<1x125xi32, #tpu.memory_space<vmem>> -> memref<125xi32, #tpu.memory_space<vmem>>
    %dma_wait3A_28 = arith.constant 0 : i32
    %dma_wait3A_29 = arith.constant 0 : i32
    %dma_wait3A_30 = tpu.memref_slice %arg20[%dma_wait3A_28, %dma_wait3A_29] : memref<10240x64xf32, #tpu.memory_space<vmem_shared>> -> memref<10240x64xf32, #tpu.memory_space<vmem_shared>>
    tpu.wait_indirect_dma semaphore(%arg16 : memref<!tpu.dma_semaphore, #tpu.memory_space<semaphore_mem>>) src(%arg8 : memref<125x64xf32, #tpu.memory_space<vmem>>) dst(%dma_wait3A_30 : memref<10240x64xf32, #tpu.memory_space<vmem_shared>>)
    %dma_wait3A_31 = arith.constant 77 : i32
    %dma_wait3A_32 = arith.constant 0 : i32
    %dma_wait3A_33 = tpu.memref_slice %arg7[%dma_wait3A_31, %dma_wait3A_32] : memref<80x125xi32, #tpu.memory_space<vmem>> -> memref<1x125xi32, #tpu.memory_space<vmem>>
    %dma_wait3A_34 = tpu.memref_squeeze %dma_wait3A_33 : memref<1x125xi32, #tpu.memory_space<vmem>> -> memref<125xi32, #tpu.memory_space<vmem>>
    %dma_wait3A_35 = arith.constant 0 : i32
    %dma_wait3A_36 = arith.constant 0 : i32
    %dma_wait3A_37 = tpu.memref_slice %arg20[%dma_wait3A_35, %dma_wait3A_36] : memref<10240x64xf32, #tpu.memory_space<vmem_shared>> -> memref<10240x64xf32, #tpu.memory_space<vmem_shared>>
    tpu.wait_indirect_dma semaphore(%arg17 : memref<!tpu.dma_semaphore, #tpu.memory_space<semaphore_mem>>) src(%arg9 : memref<125x64xf32, #tpu.memory_space<vmem>>) dst(%dma_wait3A_37 : memref<10240x64xf32, #tpu.memory_space<vmem_shared>>)
    %dma_wait3A_38 = arith.constant 78 : i32
    %dma_wait3A_39 = arith.constant 0 : i32
    %dma_wait3A_40 = tpu.memref_slice %arg7[%dma_wait3A_38, %dma_wait3A_39] : memref<80x125xi32, #tpu.memory_space<vmem>> -> memref<1x125xi32, #tpu.memory_space<vmem>>
    %dma_wait3A_41 = tpu.memref_squeeze %dma_wait3A_40 : memref<1x125xi32, #tpu.memory_space<vmem>> -> memref<125xi32, #tpu.memory_space<vmem>>
    %dma_wait3A_42 = arith.constant 0 : i32
    %dma_wait3A_43 = arith.constant 0 : i32
    %dma_wait3A_44 = tpu.memref_slice %arg20[%dma_wait3A_42, %dma_wait3A_43] : memref<10240x64xf32, #tpu.memory_space<vmem_shared>> -> memref<10240x64xf32, #tpu.memory_space<vmem_shared>>
    tpu.wait_indirect_dma semaphore(%arg18 : memref<!tpu.dma_semaphore, #tpu.memory_space<semaphore_mem>>) src(%arg10 : memref<125x64xf32, #tpu.memory_space<vmem>>) dst(%dma_wait3A_44 : memref<10240x64xf32, #tpu.memory_space<vmem_shared>>)
    %dma_wait3A_45 = arith.constant 79 : i32
    %dma_wait3A_46 = arith.constant 0 : i32
    %dma_wait3A_47 = tpu.memref_slice %arg7[%dma_wait3A_45, %dma_wait3A_46] : memref<80x125xi32, #tpu.memory_space<vmem>> -> memref<1x125xi32, #tpu.memory_space<vmem>>
    %dma_wait3A_48 = tpu.memref_squeeze %dma_wait3A_47 : memref<1x125xi32, #tpu.memory_space<vmem>> -> memref<125xi32, #tpu.memory_space<vmem>>
    %dma_wait3A_49 = arith.constant 0 : i32
    %dma_wait3A_50 = arith.constant 0 : i32
    %dma_wait3A_51 = tpu.memref_slice %arg20[%dma_wait3A_49, %dma_wait3A_50] : memref<10240x64xf32, #tpu.memory_space<vmem_shared>> -> memref<10240x64xf32, #tpu.memory_space<vmem_shared>>
    tpu.wait_indirect_dma semaphore(%arg19 : memref<!tpu.dma_semaphore, #tpu.memory_space<semaphore_mem>>) src(%arg11 : memref<125x64xf32, #tpu.memory_space<vmem>>) dst(%dma_wait3A_51 : memref<10240x64xf32, #tpu.memory_space<vmem_shared>>)
    %barrier3A_52 = arith.constant 0 : index
    tpu.barrier barrier_id(%barrier3A_52)
    %mul3A_53 = arith.constant 640 : i32
    %mul3A_54 = arith.muli %arg1, %mul3A_53 : i32
    %mul3A_55 = arith.constant 640 : i32
    %mul3A_56 = arith.muli %arg1, %mul3A_55 : i32
    "tpu.region"() ({
      %run_scoped3A = tpu.sem_alloc : memref<!tpu.dma_semaphore, #tpu.memory_space<semaphore_mem>>
      %dma_start3A_57 = arith.constant 0 : i32
      %dma_start3A_58 = tpu.memref_slice %arg5[%arg0, %mul3A_56, %dma_start3A_57] : memref<2x10240x64xf32, #tpu.memory_space<hbm>> -> memref<1x640x64xf32, #tpu.memory_space<hbm>>
      %dma_start3A_59 = tpu.memref_squeeze %dma_start3A_58 : memref<1x640x64xf32, #tpu.memory_space<hbm>> -> memref<640x64xf32, #tpu.memory_space<hbm>>
      %dma_start3A_60 = arith.constant 0 : i32
      %dma_start3A_61 = tpu.memref_slice %arg20[%mul3A_54, %dma_start3A_60] : memref<10240x64xf32, #tpu.memory_space<vmem_shared>> -> memref<640x64xf32, #tpu.memory_space<vmem_shared>>
      tpu.enqueue_dma source(%dma_start3A_61 : memref<640x64xf32, #tpu.memory_space<vmem_shared>>) target(%dma_start3A_59 : memref<640x64xf32, #tpu.memory_space<hbm>>) target_semaphore(%run_scoped3A : memref<!tpu.dma_semaphore, #tpu.memory_space<semaphore_mem>>)
      %dma_wait3A_62 = arith.constant 0 : i32
      %dma_wait3A_63 = tpu.memref_slice %arg5[%arg0, %mul3A_56, %dma_wait3A_62] : memref<2x10240x64xf32, #tpu.memory_space<hbm>> -> memref<1x640x64xf32, #tpu.memory_space<hbm>>
      %dma_wait3A_64 = tpu.memref_squeeze %dma_wait3A_63 : memref<1x640x64xf32, #tpu.memory_space<hbm>> -> memref<640x64xf32, #tpu.memory_space<hbm>>
      %dma_wait3A_65 = arith.constant 0 : i32
      %dma_wait3A_66 = tpu.memref_slice %arg20[%mul3A_54, %dma_wait3A_65] : memref<10240x64xf32, #tpu.memory_space<vmem_shared>> -> memref<640x64xf32, #tpu.memory_space<vmem_shared>>
      tpu.wait_dma2 semaphore(%run_scoped3A : memref<!tpu.dma_semaphore, #tpu.memory_space<semaphore_mem>>) src(%dma_wait3A_66 : memref<640x64xf32, #tpu.memory_space<vmem_shared>>) dst(%dma_wait3A_64 : memref<640x64xf32, #tpu.memory_space<hbm>>)
      tpu.yield
    }) : () -> ()
    return
  }
}

module attributes {stable_mosaic.version = 14 : i64} {
  func.func @_tc1_body(%arg0: i32, %arg1: memref<2000x128xf32, #tpu.memory_space<vmem>>, %arg2: memref<128x128xf32, #tpu.memory_space<vmem>>, %arg3: memref<2000x1xf32, #tpu.memory_space<vmem>>, %arg4: memref<2000x128xf32, #tpu.memory_space<vmem>>) attributes {dimension_semantics = [#tpu.dimension_semantics<arbitrary>], iteration_bounds = array<i64: 5>, scalar_prefetch = 0 : i64, scratch_operands = 0 : i64, tpu.core_type = #tpu.core_type<tc>, window_params = [{transform_indices = @transform_0, window_bounds = array<i64: 2000, 128>}, {pipeline_mode = #tpu.pipeline_mode<synchronous>, transform_indices = @transform_1, window_bounds = array<i64: 128, 128>}, {transform_indices = @transform_2, window_bounds = array<i64: 2000, 1>}, {transform_indices = @transform_3, window_bounds = array<i64: 2000, 128>}]} {
    %get3A = arith.constant 0 : index
    %get3A_0 = arith.constant 0 : index
    %get3A_1 = vector.load %arg3[%get3A, %get3A_0] : memref<2000x1xf32, #tpu.memory_space<vmem>>, vector<2000x1xf32>
    %rsqrt3A = math.rsqrt %get3A_1 : vector<2000x1xf32>
    %get3A_2 = arith.constant 0 : index
    %get3A_3 = arith.constant 0 : index
    %get3A_4 = vector.load %arg1[%get3A_2, %get3A_3] : memref<2000x128xf32, #tpu.memory_space<vmem>>, vector<2000x128xf32>
    %get3A_5 = arith.constant 0 : index
    %get3A_6 = arith.constant 0 : index
    %get3A_7 = vector.load %arg2[%get3A_5, %get3A_6] : memref<128x128xf32, #tpu.memory_space<vmem>>, vector<128x128xf32>
    %dot_general3A = arith.constant dense<0.000000e+00> : vector<2000x128xf32>
    %dot_general3A_8 = tpu.matmul %get3A_4, %get3A_7, %dot_general3A {dimension_numbers = #tpu.dot_dimension_numbers<[1], [0], [0], [1], [0, 0, 1, 1], [], []>, transpose_lhs_hint = false} : vector<2000x128xf32>, vector<128x128xf32>, vector<2000x128xf32> -> vector<2000x128xf32>
    %mul3A = vector.broadcast %rsqrt3A : vector<2000x1xf32> to vector<2000x128xf32>
    %mul3A_9 = arith.mulf %dot_general3A_8, %mul3A : vector<2000x128xf32>
    %swap3A = arith.constant 0 : index
    %swap3A_10 = arith.constant 0 : index
    %swap3A_11 = vector.load %arg4[%swap3A, %swap3A_10] : memref<2000x128xf32, #tpu.memory_space<vmem>>, vector<2000x128xf32>
    tpu.vector_store %arg4[%swap3A, %swap3A_10], %mul3A_9 {strides = array<i32>} : memref<2000x128xf32, #tpu.memory_space<vmem>>, vector<2000x128xf32>,
    return
  }
  func.func @transform_0(%arg0: i32) -> (i32, i32) {
    %c0_i32 = arith.constant 0 : i32
    %c0_i32_0 = arith.constant 0 : i32
    return %arg0, %c0_i32 : i32, i32
  }
  func.func @transform_1(%arg0: i32) -> (i32, i32) {
    %c0_i32 = arith.constant 0 : i32
    %c0_i32_0 = arith.constant 0 : i32
    %c0_i32_1 = arith.constant 0 : i32
    return %c0_i32, %c0_i32_0 : i32, i32
  }
  func.func @transform_2(%arg0: i32) -> (i32, i32) {
    %c0_i32 = arith.constant 0 : i32
    %c0_i32_0 = arith.constant 0 : i32
    return %arg0, %c0_i32 : i32, i32
  }
  func.func @transform_3(%arg0: i32) -> (i32, i32) {
    %c0_i32 = arith.constant 0 : i32
    %c0_i32_0 = arith.constant 0 : i32
    return %arg0, %c0_i32 : i32, i32
  }
}

module attributes {stable_mosaic.version = 14 : i64} {
  func.func @_tc2_body(%arg0: i32, %arg1: memref<2x2000x128xf32, #tpu.memory_space<vmem>>, %arg2: memref<2000x128xf32, #tpu.memory_space<vmem>>, %arg3: memref<2000x1xf32, #tpu.memory_space<vmem>>, %arg4: memref<1x128xf32, #tpu.memory_space<vmem>>, %arg5: memref<128x64xf32, #tpu.memory_space<vmem>>, %arg6: memref<2000x64xf32, #tpu.memory_space<vmem>>) attributes {dimension_semantics = [#tpu.dimension_semantics<arbitrary>], iteration_bounds = array<i64: 5>, scalar_prefetch = 0 : i64, scratch_operands = 0 : i64, tpu.core_type = #tpu.core_type<tc>, window_params = [{transform_indices = @transform_0, window_bounds = array<i64: 2, 2000, 128>}, {transform_indices = @transform_1, window_bounds = array<i64: 2000, 128>}, {transform_indices = @transform_2, window_bounds = array<i64: 2000, 1>}, {pipeline_mode = #tpu.pipeline_mode<synchronous>, transform_indices = @transform_3, window_bounds = array<i64: 1, 128>}, {pipeline_mode = #tpu.pipeline_mode<synchronous>, transform_indices = @transform_4, window_bounds = array<i64: 128, 64>}, {transform_indices = @transform_5, window_bounds = array<i64: 2000, 64>}]} {
    %get3A = arith.constant 0 : index
    %get3A_0 = arith.constant 0 : index
    %get3A_1 = vector.load %arg3[%get3A, %get3A_0] : memref<2000x1xf32, #tpu.memory_space<vmem>>, vector<2000x1xf32>
    %rsqrt3A = math.rsqrt %get3A_1 : vector<2000x1xf32>
    %get3A_2 = arith.constant 0 : index
    %get3A_3 = arith.constant 0 : index
    %get3A_4 = arith.constant 0 : index
    %get3A_5 = vector.load %arg1[%get3A_2, %get3A_3, %get3A_4] : memref<2x2000x128xf32, #tpu.memory_space<vmem>>, vector<1x2000x128xf32>
    %get3A_6 = vector.shape_cast %get3A_5 : vector<1x2000x128xf32> to vector<2000x128xf32>
    %get3A_7 = arith.constant 1 : index
    %get3A_8 = arith.constant 0 : index
    %get3A_9 = arith.constant 0 : index
    %get3A_10 = vector.load %arg1[%get3A_7, %get3A_8, %get3A_9] : memref<2x2000x128xf32, #tpu.memory_space<vmem>>, vector<1x2000x128xf32>
    %get3A_11 = vector.shape_cast %get3A_10 : vector<1x2000x128xf32> to vector<2000x128xf32>
    %add3A = arith.addf %get3A_6, %get3A_11 : vector<2000x128xf32>
    %get3A_12 = arith.constant 0 : index
    %get3A_13 = arith.constant 0 : index
    %get3A_14 = vector.load %arg2[%get3A_12, %get3A_13] : memref<2000x128xf32, #tpu.memory_space<vmem>>, vector<2000x128xf32>
    %add3A_15 = arith.addf %add3A, %get3A_14 : vector<2000x128xf32>
    %mul3A = vector.broadcast %rsqrt3A : vector<2000x1xf32> to vector<2000x128xf32>
    %mul3A_16 = arith.mulf %add3A_15, %mul3A : vector<2000x128xf32>
    %get3A_17 = arith.constant 0 : index
    %get3A_18 = arith.constant 0 : index
    %get3A_19 = vector.load %arg4[%get3A_17, %get3A_18] : memref<1x128xf32, #tpu.memory_space<vmem>>, vector<1x128xf32>
    %add3A_20 = vector.broadcast %get3A_19 : vector<1x128xf32> to vector<2000x128xf32>
    %add3A_21 = arith.addf %mul3A_16, %add3A_20 : vector<2000x128xf32>
    %max3A = arith.constant 0.000000e+00 : f32
    %max3A_22 = vector.broadcast %max3A : f32 to vector<2000x128xf32>
    %max3A_23 = arith.maximumf %add3A_21, %max3A_22 : vector<2000x128xf32>
    %get3A_24 = arith.constant 0 : index
    %get3A_25 = arith.constant 0 : index
    %get3A_26 = vector.load %arg5[%get3A_24, %get3A_25] : memref<128x64xf32, #tpu.memory_space<vmem>>, vector<128x64xf32>
    %dot_general3A = arith.constant dense<0.000000e+00> : vector<2000x64xf32>
    %dot_general3A_27 = tpu.matmul %max3A_23, %get3A_26, %dot_general3A {dimension_numbers = #tpu.dot_dimension_numbers<[1], [0], [0], [1], [0, 0, 1, 1], [], []>, transpose_lhs_hint = false} : vector<2000x128xf32>, vector<128x64xf32>, vector<2000x64xf32> -> vector<2000x64xf32>
    %mul3A_28 = vector.broadcast %rsqrt3A : vector<2000x1xf32> to vector<2000x64xf32>
    %mul3A_29 = arith.mulf %dot_general3A_27, %mul3A_28 : vector<2000x64xf32>
    %swap3A = arith.constant 0 : index
    %swap3A_30 = arith.constant 0 : index
    %swap3A_31 = vector.load %arg6[%swap3A, %swap3A_30] : memref<2000x64xf32, #tpu.memory_space<vmem>>, vector<2000x64xf32>
    tpu.vector_store %arg6[%swap3A, %swap3A_30], %mul3A_29 {strides = array<i32>} : memref<2000x64xf32, #tpu.memory_space<vmem>>, vector<2000x64xf32>,
    return
  }
  func.func @transform_0(%arg0: i32) -> (i32, i32, i32) {
    %c0_i32 = arith.constant 0 : i32
    %c0_i32_0 = arith.constant 0 : i32
    %c0_i32_1 = arith.constant 0 : i32
    return %c0_i32, %arg0, %c0_i32_0 : i32, i32, i32
  }
  func.func @transform_1(%arg0: i32) -> (i32, i32) {
    %c0_i32 = arith.constant 0 : i32
    %c0_i32_0 = arith.constant 0 : i32
    return %arg0, %c0_i32 : i32, i32
  }
  func.func @transform_2(%arg0: i32) -> (i32, i32) {
    %c0_i32 = arith.constant 0 : i32
    %c0_i32_0 = arith.constant 0 : i32
    return %arg0, %c0_i32 : i32, i32
  }
  func.func @transform_3(%arg0: i32) -> (i32, i32) {
    %c0_i32 = arith.constant 0 : i32
    %c0_i32_0 = arith.constant 0 : i32
    %c0_i32_1 = arith.constant 0 : i32
    return %c0_i32, %c0_i32_0 : i32, i32
  }
  func.func @transform_4(%arg0: i32) -> (i32, i32) {
    %c0_i32 = arith.constant 0 : i32
    %c0_i32_0 = arith.constant 0 : i32
    %c0_i32_1 = arith.constant 0 : i32
    return %c0_i32, %c0_i32_0 : i32, i32
  }
  func.func @transform_5(%arg0: i32) -> (i32, i32) {
    %c0_i32 = arith.constant 0 : i32
    %c0_i32_0 = arith.constant 0 : i32
    return %arg0, %c0_i32 : i32, i32
  }
}

module attributes {stable_mosaic.version = 14 : i64} {
  func.func @_tc3_body(%arg0: i32, %arg1: memref<2x2000x64xf32, #tpu.memory_space<vmem>>, %arg2: memref<2000x64xf32, #tpu.memory_space<vmem>>, %arg3: memref<2000x1xf32, #tpu.memory_space<vmem>>, %arg4: memref<1x64xf32, #tpu.memory_space<vmem>>, %arg5: memref<2000x64xf32, #tpu.memory_space<vmem>>) attributes {dimension_semantics = [#tpu.dimension_semantics<arbitrary>], iteration_bounds = array<i64: 5>, scalar_prefetch = 0 : i64, scratch_operands = 0 : i64, tpu.core_type = #tpu.core_type<tc>, window_params = [{transform_indices = @transform_0, window_bounds = array<i64: 2, 2000, 64>}, {transform_indices = @transform_1, window_bounds = array<i64: 2000, 64>}, {transform_indices = @transform_2, window_bounds = array<i64: 2000, 1>}, {pipeline_mode = #tpu.pipeline_mode<synchronous>, transform_indices = @transform_3, window_bounds = array<i64: 1, 64>}, {transform_indices = @transform_4, window_bounds = array<i64: 2000, 64>}]} {
    %get3A = arith.constant 0 : index
    %get3A_0 = arith.constant 0 : index
    %get3A_1 = vector.load %arg3[%get3A, %get3A_0] : memref<2000x1xf32, #tpu.memory_space<vmem>>, vector<2000x1xf32>
    %rsqrt3A = math.rsqrt %get3A_1 : vector<2000x1xf32>
    %get3A_2 = arith.constant 0 : index
    %get3A_3 = arith.constant 0 : index
    %get3A_4 = arith.constant 0 : index
    %get3A_5 = vector.load %arg1[%get3A_2, %get3A_3, %get3A_4] : memref<2x2000x64xf32, #tpu.memory_space<vmem>>, vector<1x2000x64xf32>
    %get3A_6 = vector.shape_cast %get3A_5 : vector<1x2000x64xf32> to vector<2000x64xf32>
    %get3A_7 = arith.constant 1 : index
    %get3A_8 = arith.constant 0 : index
    %get3A_9 = arith.constant 0 : index
    %get3A_10 = vector.load %arg1[%get3A_7, %get3A_8, %get3A_9] : memref<2x2000x64xf32, #tpu.memory_space<vmem>>, vector<1x2000x64xf32>
    %get3A_11 = vector.shape_cast %get3A_10 : vector<1x2000x64xf32> to vector<2000x64xf32>
    %add3A = arith.addf %get3A_6, %get3A_11 : vector<2000x64xf32>
    %get3A_12 = arith.constant 0 : index
    %get3A_13 = arith.constant 0 : index
    %get3A_14 = vector.load %arg2[%get3A_12, %get3A_13] : memref<2000x64xf32, #tpu.memory_space<vmem>>, vector<2000x64xf32>
    %add3A_15 = arith.addf %add3A, %get3A_14 : vector<2000x64xf32>
    %mul3A = vector.broadcast %rsqrt3A : vector<2000x1xf32> to vector<2000x64xf32>
    %mul3A_16 = arith.mulf %add3A_15, %mul3A : vector<2000x64xf32>
    %get3A_17 = arith.constant 0 : index
    %get3A_18 = arith.constant 0 : index
    %get3A_19 = vector.load %arg4[%get3A_17, %get3A_18] : memref<1x64xf32, #tpu.memory_space<vmem>>, vector<1x64xf32>
    %add3A_20 = vector.broadcast %get3A_19 : vector<1x64xf32> to vector<2000x64xf32>
    %add3A_21 = arith.addf %mul3A_16, %add3A_20 : vector<2000x64xf32>
    %max3A = arith.constant 0.000000e+00 : f32
    %max3A_22 = vector.broadcast %max3A : f32 to vector<2000x64xf32>
    %max3A_23 = arith.maximumf %add3A_21, %max3A_22 : vector<2000x64xf32>
    %swap3A = arith.constant 0 : index
    %swap3A_24 = arith.constant 0 : index
    %swap3A_25 = vector.load %arg5[%swap3A, %swap3A_24] : memref<2000x64xf32, #tpu.memory_space<vmem>>, vector<2000x64xf32>
    tpu.vector_store %arg5[%swap3A, %swap3A_24], %max3A_23 {strides = array<i32>} : memref<2000x64xf32, #tpu.memory_space<vmem>>, vector<2000x64xf32>,
    return
  }
  func.func @transform_0(%arg0: i32) -> (i32, i32, i32) {
    %c0_i32 = arith.constant 0 : i32
    %c0_i32_0 = arith.constant 0 : i32
    %c0_i32_1 = arith.constant 0 : i32
    return %c0_i32, %arg0, %c0_i32_0 : i32, i32, i32
  }
  func.func @transform_1(%arg0: i32) -> (i32, i32) {
    %c0_i32 = arith.constant 0 : i32
    %c0_i32_0 = arith.constant 0 : i32
    return %arg0, %c0_i32 : i32, i32
  }
  func.func @transform_2(%arg0: i32) -> (i32, i32) {
    %c0_i32 = arith.constant 0 : i32
    %c0_i32_0 = arith.constant 0 : i32
    return %arg0, %c0_i32 : i32, i32
  }
  func.func @transform_3(%arg0: i32) -> (i32, i32) {
    %c0_i32 = arith.constant 0 : i32
    %c0_i32_0 = arith.constant 0 : i32
    %c0_i32_1 = arith.constant 0 : i32
    return %c0_i32, %c0_i32_0 : i32, i32
  }
  func.func @transform_4(%arg0: i32) -> (i32, i32) {
    %c0_i32 = arith.constant 0 : i32
    %c0_i32_0 = arith.constant 0 : i32
    return %arg0, %c0_i32 : i32, i32
  }
}

</mosaic_0001>

<sc_bundles>
// kernel: kernel.11.cloned.1.call-start
scs
__scs_entry_jumppad:
0x0: {  	(pc) =	sbr.rel $0x88, $3  }
0x1: {  	(tag) =	ssettag $0x0;
	lr =	simm.s32 $0x1  }
0x2: {  	[smem:$0x3F9B] =	sst lr;
	_ =	strace $0xD0000000  }
0x3: {  	_ = 	snop  }
0x4: {  	_ = 	snop  }
0x5: {  	_ = 	snop  }
0x6: {  	_ = 	snop  }
0x7: {  	_ = 	snop  }
__scs_overlays_trampoline_lowered:
0x8: {  	[smem:$0x3FAA] =	sst s0  }
0x9: {  	[smem:$0x3FAB] =	sst s1  }
0xa: {  	[smem:$0x3FAC] =	sst s2  }
0xb: {  	[smem:$0x3FAD] =	sst s3  }
0xc: {  	[smem:$0x3FAE] =	sst s4  }
0xd: {  	[smem:$0x3FAF] =	sst s5  }
0xe: {  	[smem:$0x3FB0] =	sst s6  }
0xf: {  	[smem:$0x3FB1] =	sst s7  }
0x10: {  	[smem:$0x3FB2] =	sst s8  }
0x11: {  	[smem:$0x3FB3] =	sst s9;
	s0 =	simm.s32 @!p0 $0x0  }
0x12: {  	s1 =	sld [smem:$0x3F99];
	s0 =	simm.s32 @p0 $0x1  }
0x13: {  	[smem:$0x3FB4] =	sst s0;
	s0 =	simm.s32 @!p1 $0x0  }
0x14: {  	s2 =	sld [smem:$0x3F98];
	s0 =	simm.s32 @p1 $0x1  }
0x15: {  	[smem:$0x3FB5] =	sst s0;
	s0 =	simm.s32 @!p2 $0x0  }
0x16: {  	s3 =	sld [smem:$0x3FDB];
	s0 =	simm.s32 @p2 $0x1  }
0x17: {  	s4 =	simm.s32 $0x1BF5;
	[smem:$0x3FB7] =	sst s0  }
0x18: {  	s0 =	sld [smem:$0x3F9A];
	_ =	swait.ge [sflag:s4], $0x0  }
0x19: {  	s7 =	sld [smem:$0x3F9B]  }
0x1a: {  	s8 =	sadd.s32 $0xFFFFE003, lr  }
0x1b: {  	s9 =	sadd.s32 $0xFFFFFEF7, lr;
	s5 =	simm.s32 $0xFFFFFFFF;
	p2 =	slt.u32 s8, $0xFFFFF086  }
0x1c: {  	p1 =	slt.u32 s9, $0xF7A;
	s5 =	simm.s32 @!p2 $0x0  }
0x1d: {  	s5 =	simm.s32 @p1 $0x1;
	p0 =	seq.s32 s7, s2  }
0x1e: {  	s7 =	smul.u32 @!p0 $0xF7A, s2;
	p2 =	seq.s32 @!p0 s5, $0x0  }
0x1f: {  	s9 =	smul.u32 $0xF7A, s1;
	s8 =	simm.s32 @!p0 $0x1BF5;
	p2 =	por !p2, p0  }
0x20: {  	[sflag:s8] =	ssyncset.s32 @!p0 $0xFFFFF086;
	s6 =	sadd.s32 @!p0 s3, s7;
	s7 =	simm.s32 @!p0 $0x108  }
0x21: {  	s3 =	sadd.s32 s3, s9;
	s6 =	sadd.s32 @!p0 $0x88, s6;
	s7 =	simm.s32 @p2 $0x1082  }
0x22: {  	[simem:s7], [sflag:s8] =	dma.local @!p0 [hbm:s6], $0xF7A  }
0x23: {  	s9 =	sor.u32 $0xD0000000, s2;
	s6 =	simm.s32 $0x108;
	_ =	swait.ge @!p0 [sflag:s8], $0x0  }
0x24: {  	s3 =	sadd.s32 $0x88, s3;
	s6 =	simm.s32 @!p1 $0x1082;
	[sflag:s4] =	ssyncset.s32 $0xFFFFF086  }
0x25: {  	[simem:s6], [sflag:s4] =	dma.local [hbm:s3], $0xF7A  }
0x26: {  	[smem:$0x3F9B] =	sst s1;
	(tag) =	ssettag s2;
	_ =	strace s9  }
0x27: {  	s1 =	sld [smem:$0x3FAB]  }
0x28: {  	s2 =	sld [smem:$0x3FAC]  }
0x29: {  	s4 =	sld [smem:$0x3FAE]  }
0x2a: {  	p0 =	seq.s32 s5, $0x0;
	s5 =	sld [smem:$0x3FAF]  }
0x2b: {  	s6 =	sld [smem:$0x3FB0]  }
0x2c: {  	s7 =	sld [smem:$0x3FB1]  }
0x2d: {  	s3 =	simm.s32 $0x108;
	s8 =	sld [smem:$0x3FB2]  }
0x2e: {  	s3 =	simm.s32 @!p0 $0x1082;
	s9 =	sld [smem:$0x3FB3]  }
0x2f: {  	lr =	sadd.s32 s0, s3;
	s0 =	sld [smem:$0x3FAA]  }
0x30: {  	s3 =	sld [smem:$0x3FAD]  }
0x31: {  	[smem:$0x3FB6] =	sst s10  }
0x32: {  	s10 =	sld [smem:$0x3FB4];
	_ =	sdelay $0x3  }
0x33: {  	p0 =	seq.s32 s10, $0x1;
	s10 =	sld [smem:$0x3FB6];
	_ =	sdelay $0x3  }
0x34: {  	[smem:$0x3FB6] =	sst s10  }
0x35: {  	s10 =	sld [smem:$0x3FB5];
	_ =	sdelay $0x3  }
0x36: {  	p1 =	seq.s32 s10, $0x1;
	s10 =	sld [smem:$0x3FB6];
	_ =	sdelay $0x3  }
0x37: {  	[smem:$0x3FB6] =	sst s10  }
0x38: {  	s10 =	sld [smem:$0x3FB7]  }
0x39: {  	_ = 	snop;
	(pc) =	sbr.ind lr, $3  }
0x3a: {  	_ = 	snop  }
0x3b: {  	_ = 	snop  }
0x3c: {  	p2 =	seq.s32 s10, $0x1;
	s10 =	sld [smem:$0x3FB6]  }
0x3d: {  	_ =	shalt  }
0x3e: {  	_ =	shalt  }
0x3f: {  	_ =	shalt  }
0x40: {  	_ =	shalt  }
0x41: {  	_ =	shalt  }
0x42: {  	_ =	shalt  }
0x43: {  	_ =	shalt  }
0x44: {  	_ =	shalt  }
0x45: {  	_ =	shalt  }
0x46: {  	_ =	shalt  }
0x47: {  	_ =	shalt  }
0x48: {  	_ =	shalt  }
0x49: {  	_ =	shalt  }
0x4a: {  	_ =	shalt  }
0x4b: {  	_ =	shalt  }
0x4c: {  	_ =	shalt  }
0x4d: {  	_ =	shalt  }
0x4e: {  	_ =	shalt  }
0x4f: {  	_ =	shalt  }
0x50: {  	_ =	shalt  }
0x51: {  	_ =	shalt  }
0x52: {  	_ =	shalt  }
0x53: {  	_ =	shalt  }
0x54: {  	_ =	shalt  }
0x55: {  	_ =	shalt  }
0x56: {  	_ =	shalt  }
0x57: {  	_ =	shalt  }
0x58: {  	_ =	shalt  }
0x59: {  	_ =	shalt  }
0x5a: {  	_ =	shalt  }
0x5b: {  	_ =	shalt  }
0x5c: {  	_ =	shalt  }
0x5d: {  	_ =	shalt  }
0x5e: {  	_ =	shalt  }
0x5f: {  	_ =	shalt  }
0x60: {  	_ =	shalt  }
0x61: {  	_ =	shalt  }
0x62: {  	_ =	shalt  }
0x63: {  	_ =	shalt  }
0x64: {  	_ =	shalt  }
0x65: {  	_ =	shalt  }
0x66: {  	_ =	shalt  }
0x67: {  	_ =	shalt  }
0x68: {  	_ =	shalt  }
0x69: {  	_ =	shalt  }
0x6a: {  	_ =	shalt  }
0x6b: {  	_ =	shalt  }
0x6c: {  	_ =	shalt  }
0x6d: {  	_ =	shalt  }
0x6e: {  	_ =	shalt  }
0x6f: {  	_ =	shalt  }
0x70: {  	_ =	shalt  }
0x71: {  	_ =	shalt  }
0x72: {  	_ =	shalt  }
0x73: {  	_ =	shalt  }
0x74: {  	_ =	shalt  }
0x75: {  	_ =	shalt  }
0x76: {  	_ =	shalt  }
0x77: {  	_ =	shalt  }
0x78: {  	_ =	shalt  }
0x79: {  	_ =	shalt  }
0x7a: {  	_ =	shalt  }
0x7b: {  	_ =	shalt  }
0x7c: {  	_ =	shalt  }
0x7d: {  	_ =	shalt  }
0x7e: {  	_ =	shalt  }
0x7f: {  	_ =	shalt  }
0x80: {  	_ =	shalt  }
0x81: {  	_ =	shalt  }
0x82: {  	_ =	shalt  }
0x83: {  	_ =	shalt  }
0x84: {  	_ =	shalt  }
0x85: {  	_ =	shalt  }
0x86: {  	_ =	shalt  }
0x87: {  	_ =	shalt  }
.Lfunc_end0:
.L_simem_size_0:
called_computation.1_lowered:
.L_overlay_start_0:
0x88: {  	s2 =	sld [smem:$0x3FD9]  }
0x89: {  	s3 =	sld [smem:$0x3FFE];
	_ =	sdelay $0x1  }
0x8a: {  	s1 =	srdreg.scid  }
0x8b: {  	s0 =	sand.u32 $0x1, s1  }
0x8c: {  	s16 =	sshll.u32 s0, $0xA;
	s2 =	sadd.s32 s3, s2  }
0x8d: {  	s2 =	sadd.s32 s2, s16  }
0x8e: {  	[smem:$0x3FC2] =	sst s2  }
0x8f: {  	_ = 	snop  }
0x90: {  	(tm) =	ssettm $0x1  }
0x91: {  	s17 =	sld [smem:$0x3FFB];
	_ =	sdelay $0x3  }
0x92: {  	_ =	strace s17  }
0x93: {  	s2 =	sld [smem:$0x3FFC];
	_ =	sdelay $0x3  }
0x94: {  	_ =	strace s2  }
0x95: {  	s2 =	sld [smem:$0x3FFD];
	_ =	sdelay $0x3  }
0x96: {  	_ =	strace s2  }
0x97: {  	_ =	strace $0x8FFFFFFF  }
0x98: {  	s18 =	sld [smem:$0x3FDB];
	_ =	sdelay $0x1  }
0x99: {  	s19 =	simm.s32 $_scs_section_size  }
0x9a: {  	s4 =	simm.s32 $_size__tile_overlayer_lowered;
	s5 =	simm.s32 $_tile_overlayer_lowered  }
0x9b: {  	s22 =	simm.s32 $0x1BFF;
	s21 =	sshll.u32 s5, $0x1;
	s2 =	sadd.s32 s19, s18  }
0x9c: {  	s6 =	simm.s32 $0x0;
	s20 =	sshll.u32 s4, $0x1;
	s4 =	sadd.s32 s21, s2  }
0x9d: {  	[timem:s6], [sflag:s22] =	dma.local [hbm:s4], s20  }
0x9e: {  	_ =	swait.ge [sflag:s22], s20  }
0x9f: {  	s3 =	ssub.s32 $0x0, s20;
	[sflag:s22] =	ssyncset.done $0x0  }
0xa0: {  	[sflag:s22] =	ssyncadd.s32 s3;
	_ =	sdelay $0x1  }
0xa1: {  	s23 =	simm.s32 $0x1B8B  }
0xa2: {  	_ =	swait.ge [sflag:s23], $0x1  }
0xa3: {  	[sflag:s23] =	ssyncset.done $0x0  }
0xa4: {  	s25 =	simm.s32 $0x1B8E;
	s24 =	sld [smem:$0x3FFE];
	[sflag:s23] =	ssyncadd.s32 $0xFFFFFFFF  }
0xa5: {  	s26 =	simm.s32 $execute0_lowered;
	[smem:$0x3FD2] =	sst s25  }
0xa6: {  	s4 =	sshll.u32 s26, $0x1;
	_ =	strace $0x80000049;
	[dreg:$0x1] =	wrdreg $0xFFFFFFFF  }
0xa7: {  	s28 =	simm.s32 $_size_execute0_lowered;
	s2 =	sadd.s32 s2, s4;
	[dreg:$0x0] =	wrdreg $0x0  }
0xa8: {  	s4 =	sshll.u32 s28, $0x1;
	[dreg:$0x2] =	wrdreg s2  }
0xa9: {  	[dreg:$0x3] =	wrdreg s4  }
0xaa: {  	[dreg:$0x4] =	wrdreg $0xC0  }
0xab: {  	_ =	task [dreg:s6], $0x5FFFF  }
0xac: {  	[dreg:$0x1] =	wrdreg $0xFFFFFFFF  }
0xad: {  	[dreg:$0x0] =	wrdreg $0x60  }
0xae: {  	[dreg:$0x2] =	wrdreg s24  }
0xaf: {  	[dreg:$0x3] =	wrdreg $0xBB800  }
0xb0: {  	[dreg:$0x4] =	wrdreg $0x9  }
0xb1: {  	_ =	task.clear_ibuf [dreg:s6], $0x5FFFF;
	_ =	strace $0x90000049  }
0xb2: {  	s29 =	simm.s32 $0x9;
	_ =	strace $0x8000004B  }
0xb3: {  	_ =	swait.ge [sflag:s29], $0x1  }
0xb4: {  	[sflag:s29] =	ssyncadd.s32 $0xFFFFFFFF  }
0xb5: {  	_ =	strace $0x9000004B  }
0xb6: {  	_ =	sfence  }
0xb7: {  	s30 =	sld [smem:$0x0];
	_ =	sdelay $0x2  }
0xb8: {  	s31 =	sshll.u32 s1, $0xD;
	s1 =	sshrl.u32 s1, $0x2  }
0xb9: {  	s3 =	sand.u32 $0x4000, s31;
	s1 =	sadd.s32 s1, s30  }
0xba: {  	s0 =	sor.u32 s3, s0;
	s1 =	sshll.u32 s1, $0x11  }
0xbb: {  	s0 =	sor.u32 s1, s0  }
0xbc: {  	s0 =	sadd.s32 $0x8F2B, s0  }
0xbd: {  	[sflag:s0] =	ssyncadd.remote.s32 $0x1  }
0xbe: {  	_ =	sfence.sel $0xFFFF  }
0xbf: {  	[dreg:$0x0] =	wrdreg $0xFFFFFFFF;
	(pc) =	sbr.abs _section_cstart, $3  }
0xc0: {  	[dreg:$0x1] =	wrdreg $0xFFFFFFFF  }
0xc1: {  	_ =	task.clear_ibuf [dreg:s6], $0x2FFFF;
	_ =	strace $0x9FFFFFFF  }
0xc2: {  	(tm) =	ssettm $0x7FFFFFFF  }
0xc3: {  	_ =	shalt  }
tec
execute0_lowered:
.L_overlay_start_1:
0x0: {  	(tag) =	ssettag $0x1  }
0x1: {  	s0 =	rddreg [dreg:$0x0]  }
0x2: {  	s2 =	rddreg [dreg:$0x1]  }
0x3: {  	s3 =	simm.s32 $0x0;
	s13 =	stileid.u32;
	s1 =	srdreg.scid  }
0x4: {  	s14 =	simm.s32 $0x32;
	s15 =	simm.s32 $0x5780;
	s17 =	simm.s32 $0x7080  }
0x5: {  	s19 =	simm.s32 $0x8980;
	s20 =	simm.s32 $0x1;
	s22 =	simm.s32 $0xA280  }
0x6: {  	s23 =	simm.s32 $0x2;
	s28 =	simm.s32 $0x3;
	s30 =	simm.s32 $0x6  }
0x7: {  	s31 =	simm.s32 $0x118;
	s16 =	simm.s32 $0x7;
	s18 =	simm.s32 $0x8  }
0x8: {  	s21 =	simm.s32 $0x0;
	[smem:$0x7FF] =	sst s3;
	s5 =	smul.u32 $0x14000, s13  }
0x9: {  	s1 =	sand.u32 $0x1, s1;
	s4 =	sadd.s32 $0x2C600, s0;
	s7 =	sadd.s32 $0x16800, s0  }
0xa: {  	s26 =	sshll.u32 s13, $0x6;
	_ =	strace $0x8000004A;
	s6 =	smul.u32 $0x140000, s1  }
0xb: {  	s9 =	sshll.u32 s1, $0x4;
	s1 =	ssub.s32 $0x2, s1;
	s8 =	sshrl.u32 s5, $0x3  }
0xc: {  	s9 =	sor.u32 s13, s9;
	s10 =	sshrl.u32 s1, $0x1;
	s12 =	sadd.s32 s5, s2  }
0xd: {  	s13 =	simm.s32 $0x2BC0;
	s6 =	sadd.s32 s5, s6;
	s11 =	smul.u32 $0x2BC0, s9  }
0xe: {  	s8 =	sadd.s32 s8, s0;
	s1 =	ssub.s32 s1, s10;
	s9 =	smul.u32 $0x578, s9  }
0xf: {  	s6 =	sshrl.u32 s6, $0x3;
	s5 =	sadd.s32 $0x53800, s8;
	s10 =	smax.u32 s1, $0x1  }
0x10: {  	s1 =	simm.s32 $0x2C68;
	s0 =	sadd.s32 s6, s0;
	s25 =	sshrl.u32 s11, $0x3  }
0x11: {  	s6 =	sor.u32 $0x1C09, s26;
	s11 =	sshrl.u32 s12, $0x3;
	s12 =	simm.s32 $0x9  }
0x12: {  	s29 =	sadd.s32 s7, s25;
	s7 =	sadd.s32 s7, s9;
	s9 =	sadd.s32 $0x7B800, s0  }
0x13: {  	s25 =	simm.s32 $0x5;
	s0 =	simm.s32 $0x4;
	s8 =	sadd.s32 $0xAF00, s29  }
.LBB2_1:
0x14: {  	[spmem:s11], [sflag:s6] =	dma.local [hbm:s5], $0x2800  }
0x15: {  	_ =	swait.ge [sflag:s12], $0x2800  }
0x16: {  	[sflag:s12] =	ssyncset.done $0x0  }
0x17: {  	[sflag:s12] =	ssyncadd.s32 $0xFFFFD800  }
0x18: {  	[tilespmem:s3], [sflag:$0x9] =	stream.linear.gather [hbm4b:s7+s3], $0x2BC0, $0x38;
	[tilespmem:$0x1FB80] =	vst v63  }
0x19: {  	_ =	swait.ge [sflag:s12], $0x2BC0  }
0x1a: {  	[sflag:s12] =	ssyncset.done $0x0  }
0x1b: {  	[sflag:s12] =	ssyncadd.s32 $0xFFFFD440  }
0x1c: {  	[tilespmem:s13], [sflag:$0x9] =	stream.linear.gather [hbm4b:s8+s3], $0x2BC0, $0x38;
	[tilespmem:$0x1FB80] =	vst v63  }
0x1d: {  	_ =	swait.ge [sflag:s12], $0x2BC0  }
0x1e: {  	[sflag:s12] =	ssyncset.done $0x0  }
0x1f: {  	[sflag:s12] =	ssyncadd.s32 $0xFFFFD440  }
0x20: {  	[bflag:$0x0] =	sbarrier.arrive $0xFFFF  }
0x21: {  	[tilespmem:s15], [sflag:$0x1] =	stream.indirect.gather [hbm4b:s4+s14], $0x80, s3, s14, $0xb8;
	[tilespmem:$0x1FB80] =	vst v63  }
0x22: {  	s24 =	simm.s32 $0x38  }
0x23: {  	[tilespmem:s17], [sflag:$0x2] =	stream.indirect.gather [hbm4b:s4+s14], $0x80, s24, s14, $0xb8;
	[tilespmem:$0x1FB80] =	vst v63  }
0x24: {  	s26 =	simm.s32 $0x70  }
0x25: {  	[tilespmem:s19], [sflag:$0x3] =	stream.indirect.gather [hbm4b:s4+s14], $0x80, s26, s14, $0xb8;
	[tilespmem:$0x1FB80] =	vst v63  }
0x26: {  	_ =	swait.ge [sflag:s20], $0x1900  }
0x27: {  	[sflag:s20] =	ssyncset.done $0x0  }
0x28: {  	[sflag:s20] =	ssyncadd.s32 $0xFFFFE700  }
0x29: {  	[spmem:s2] =	stream.indirect.scatter.add.f32 [tilespmem:s15], [sflag:$0x5], $0x80, s13, s14, $0xb8;
	[tilespmem:$0x1FB80] =	vst v63  }
0x2a: {  	s29 =	simm.s32 $0xA8  }
0x2b: {  	[tilespmem:s22], [sflag:$0x4] =	stream.indirect.gather [hbm4b:s4+s14], $0x80, s29, s14, $0xb8;
	[tilespmem:$0x1FB80] =	vst v63  }
0x2c: {  	_ =	swait.ge [sflag:s23], $0x1900  }
0x2d: {  	[sflag:s23] =	ssyncset.done $0x0  }
0x2e: {  	s26 =	simm.s32 $0x2BF8;
	[sflag:s23] =	ssyncadd.s32 $0xFFFFE700  }
0x2f: {  	[spmem:s2] =	stream.indirect.scatter.add.f32 [tilespmem:s17], [sflag:$0x6], $0x80, s26, s14, $0xb8;
	[tilespmem:$0x1FB80] =	vst v63  }
0x30: {  	_ =	swait.ge [sflag:s25], $0x1900  }
0x31: {  	[sflag:s25] =	ssyncset.done $0x0  }
0x32: {  	s29 =	simm.s32 $0xE0;
	[sflag:s25] =	ssyncadd.s32 $0xFFFFE700  }
0x33: {  	[tilespmem:s15], [sflag:$0x1] =	stream.indirect.gather [hbm4b:s4+s14], $0x80, s29, s14, $0xb8;
	[tilespmem:$0x1FB80] =	vst v63  }
0x34: {  	_ =	swait.ge [sflag:s28], $0x1900  }
0x35: {  	[sflag:s28] =	ssyncset.done $0x0  }
0x36: {  	s26 =	simm.s32 $0x2C30;
	[sflag:s28] =	ssyncadd.s32 $0xFFFFE700  }
0x37: {  	[spmem:s2] =	stream.indirect.scatter.add.f32 [tilespmem:s19], [sflag:$0x7], $0x80, s26, s14, $0xb8;
	[tilespmem:$0x1FB80] =	vst v63  }
0x38: {  	_ =	swait.ge [sflag:s30], $0x1900  }
0x39: {  	[sflag:s30] =	ssyncset.done $0x0  }
0x3a: {  	[sflag:s30] =	ssyncadd.s32 $0xFFFFE700  }
0x3b: {  	[tilespmem:s17], [sflag:$0x2] =	stream.indirect.gather [hbm4b:s4+s14], $0x80, s31, s14, $0xb8;
	[tilespmem:$0x1FB80] =	vst v63  }
0x3c: {  	_ =	swait.ge [sflag:s0], $0x1900  }
0x3d: {  	[sflag:s0] =	ssyncset.done $0x0  }
0x3e: {  	[sflag:s0] =	ssyncadd.s32 $0xFFFFE700  }
0x3f: {  	[spmem:s2] =	stream.indirect.scatter.add.f32 [tilespmem:s22], [sflag:$0x8], $0x80, s1, s14, $0xb8;
	[tilespmem:$0x1FB80] =	vst v63  }
0x40: {  	_ =	swait.ge [sflag:s16], $0x1900  }
0x41: {  	[sflag:s16] =	ssyncset.done $0x0  }
0x42: {  	s29 =	simm.s32 $0x150;
	[sflag:s16] =	ssyncadd.s32 $0xFFFFE700  }
0x43: {  	[tilespmem:s19], [sflag:$0x3] =	stream.indirect.gather [hbm4b:s4+s14], $0x80, s29, s14, $0xb8;
	[tilespmem:$0x1FB80] =	vst v63  }
0x44: {  	_ =	swait.ge [sflag:s20], $0x1900  }
0x45: {  	[sflag:s20] =	ssyncset.done $0x0  }
0x46: {  	s26 =	simm.s32 $0x2CA0;
	[sflag:s20] =	ssyncadd.s32 $0xFFFFE700  }
0x47: {  	[spmem:s2] =	stream.indirect.scatter.add.f32 [tilespmem:s15], [sflag:$0x5], $0x80, s26, s14, $0xb8;
	[tilespmem:$0x1FB80] =	vst v63  }
0x48: {  	_ =	swait.ge [sflag:s18], $0x1900  }
0x49: {  	[sflag:s18] =	ssyncset.done $0x0  }
0x4a: {  	s29 =	simm.s32 $0x188;
	[sflag:s18] =	ssyncadd.s32 $0xFFFFE700  }
0x4b: {  	[tilespmem:s22], [sflag:$0x4] =	stream.indirect.gather [hbm4b:s4+s14], $0x80, s29, s14, $0xb8;
	[tilespmem:$0x1FB80] =	vst v63  }
0x4c: {  	_ =	swait.ge [sflag:s23], $0x1900  }
0x4d: {  	[sflag:s23] =	ssyncset.done $0x0  }
0x4e: {  	s26 =	simm.s32 $0x2CD8;
	[sflag:s23] =	ssyncadd.s32 $0xFFFFE700  }
0x4f: {  	[spmem:s2] =	stream.indirect.scatter.add.f32 [tilespmem:s17], [sflag:$0x6], $0x80, s26, s14, $0xb8;
	[tilespmem:$0x1FB80] =	vst v63  }
0x50: {  	_ =	swait.ge [sflag:s25], $0x1900  }
0x51: {  	[sflag:s25] =	ssyncset.done $0x0  }
0x52: {  	s29 =	simm.s32 $0x1C0;
	[sflag:s25] =	ssyncadd.s32 $0xFFFFE700  }
0x53: {  	[tilespmem:s15], [sflag:$0x1] =	stream.indirect.gather [hbm4b:s4+s14], $0x80, s29, s14, $0xb8;
	[tilespmem:$0x1FB80] =	vst v63  }
0x54: {  	_ =	swait.ge [sflag:s28], $0x1900  }
0x55: {  	[sflag:s28] =	ssyncset.done $0x0  }
0x56: {  	s26 =	simm.s32 $0x2D10;
	[sflag:s28] =	ssyncadd.s32 $0xFFFFE700  }
0x57: {  	[spmem:s2] =	stream.indirect.scatter.add.f32 [tilespmem:s19], [sflag:$0x7], $0x80, s26, s14, $0xb8;
	[tilespmem:$0x1FB80] =	vst v63  }
0x58: {  	_ =	swait.ge [sflag:s30], $0x1900  }
0x59: {  	[sflag:s30] =	ssyncset.done $0x0  }
0x5a: {  	s29 =	simm.s32 $0x1F8;
	[sflag:s30] =	ssyncadd.s32 $0xFFFFE700  }
0x5b: {  	[tilespmem:s17], [sflag:$0x2] =	stream.indirect.gather [hbm4b:s4+s14], $0x80, s29, s14, $0xb8;
	[tilespmem:$0x1FB80] =	vst v63  }
0x5c: {  	_ =	swait.ge [sflag:s0], $0x1900  }
0x5d: {  	[sflag:s0] =	ssyncset.done $0x0  }
0x5e: {  	s24 =	simm.s32 $0x380;
	s26 =	simm.s32 $0x2D48;
	[sflag:s0] =	ssyncadd.s32 $0xFFFFE700  }
.LBB2_2:
0x5f: {  	[spmem:s2] =	stream.indirect.scatter.add.f32 [tilespmem:s22], [sflag:$0x8], $0x80, s26, s14, $0xb8;
	[tilespmem:$0x1FB80] =	vst v63  }
0x60: {  	s26 =	smov.u32 s24;
	s24 =	sadd.s32 $0x380, s24;
	_ =	swait.ge [sflag:s16], $0x1900  }
0x61: {  	s26 =	sshra.s32 s26, $0x2;
	p0 =	sne.s32 s24, $0xA800;
	[sflag:s16] =	ssyncset.done $0x0  }
0x62: {  	s29 =	sadd.s32 $0x150, s26;
	[sflag:s16] =	ssyncadd.s32 $0xFFFFE700  }
0x63: {  	[tilespmem:s19], [sflag:$0x3] =	stream.indirect.gather [hbm4b:s4+s14], $0x80, s29, s14, $0xb8;
	[tilespmem:$0x1FB80] =	vst v63  }
0x64: {  	_ =	swait.ge [sflag:s20], $0x1900  }
0x65: {  	[sflag:s20] =	ssyncset.done $0x0  }
0x66: {  	s29 =	sadd.s32 $0x2CA0, s26;
	[sflag:s20] =	ssyncadd.s32 $0xFFFFE700  }
0x67: {  	[spmem:s2] =	stream.indirect.scatter.add.f32 [tilespmem:s15], [sflag:$0x5], $0x80, s29, s14, $0xb8;
	[tilespmem:$0x1FB80] =	vst v63  }
0x68: {  	_ =	swait.ge [sflag:s18], $0x1900  }
0x69: {  	[sflag:s18] =	ssyncset.done $0x0  }
0x6a: {  	s29 =	sadd.s32 $0x188, s26;
	[sflag:s18] =	ssyncadd.s32 $0xFFFFE700  }
0x6b: {  	[tilespmem:s22], [sflag:$0x4] =	stream.indirect.gather [hbm4b:s4+s14], $0x80, s29, s14, $0xb8;
	[tilespmem:$0x1FB80] =	vst v63  }
0x6c: {  	_ =	swait.ge [sflag:s23], $0x1900  }
0x6d: {  	[sflag:s23] =	ssyncset.done $0x0  }
0x6e: {  	s29 =	sadd.s32 $0x2CD8, s26;
	[sflag:s23] =	ssyncadd.s32 $0xFFFFE700  }
0x6f: {  	[spmem:s2] =	stream.indirect.scatter.add.f32 [tilespmem:s17], [sflag:$0x6], $0x80, s29, s14, $0xb8;
	[tilespmem:$0x1FB80] =	vst v63  }
0x70: {  	_ =	swait.ge [sflag:s25], $0x1900  }
0x71: {  	[sflag:s25] =	ssyncset.done $0x0  }
0x72: {  	s29 =	sadd.s32 $0x1C0, s26;
	[sflag:s25] =	ssyncadd.s32 $0xFFFFE700  }
0x73: {  	[tilespmem:s15], [sflag:$0x1] =	stream.indirect.gather [hbm4b:s4+s14], $0x80, s29, s14, $0xb8;
	[tilespmem:$0x1FB80] =	vst v63  }
0x74: {  	_ =	swait.ge [sflag:s28], $0x1900  }
0x75: {  	[sflag:s28] =	ssyncset.done $0x0  }
0x76: {  	s29 =	sadd.s32 $0x2D10, s26;
	[sflag:s28] =	ssyncadd.s32 $0xFFFFE700  }
0x77: {  	[spmem:s2] =	stream.indirect.scatter.add.f32 [tilespmem:s19], [sflag:$0x7], $0x80, s29, s14, $0xb8;
	[tilespmem:$0x1FB80] =	vst v63  }
0x78: {  	_ =	swait.ge [sflag:s30], $0x1900  }
0x79: {  	[sflag:s30] =	ssyncset.done $0x0  }
.Ltmp0:
0x7a: {  	s29 =	sadd.s32 $0x1F8, s26;
	[sflag:s30] =	ssyncadd.s32 $0xFFFFE700;
	(pc) =	sbr.rel @p0 .LBB2_2-.Ltmp0, $4  }
0x7b: {  	[tilespmem:s17], [sflag:$0x2] =	stream.indirect.gather [hbm4b:s4+s14], $0x80, s29, s14, $0xb8;
	[tilespmem:$0x1FB80] =	vst v63  }
0x7c: {  	_ =	swait.ge [sflag:s0], $0x1900  }
0x7d: {  	[sflag:s0] =	ssyncset.done $0x0  }
0x7e: {  	s26 =	sadd.s32 $0x2D48, s26;
	[sflag:s0] =	ssyncadd.s32 $0xFFFFE700  }
0x7f: {  	[spmem:s2] =	stream.indirect.scatter.add.f32 [tilespmem:s22], [sflag:$0x8], $0x80, s26, s14, $0xb8;
	[tilespmem:$0x1FB80] =	vst v63  }
0x80: {  	_ =	swait.ge [sflag:s16], $0x1900  }
0x81: {  	s24 =	sshra.s32 s24, $0x2;
	[sflag:s16] =	ssyncset.done $0x0  }
0x82: {  	s29 =	sadd.s32 $0x150, s24;
	[sflag:s16] =	ssyncadd.s32 $0xFFFFE700  }
0x83: {  	[tilespmem:s19], [sflag:$0x3] =	stream.indirect.gather [hbm4b:s4+s14], $0x80, s29, s14, $0xb8;
	[tilespmem:$0x1FB80] =	vst v63  }
0x84: {  	_ =	swait.ge [sflag:s20], $0x1900  }
0x85: {  	[sflag:s20] =	ssyncset.done $0x0  }
0x86: {  	s29 =	sadd.s32 $0x2CA0, s24;
	[sflag:s20] =	ssyncadd.s32 $0xFFFFE700  }
0x87: {  	[spmem:s2] =	stream.indirect.scatter.add.f32 [tilespmem:s15], [sflag:$0x5], $0x80, s29, s14, $0xb8;
	[tilespmem:$0x1FB80] =	vst v63  }
0x88: {  	_ =	swait.ge [sflag:s18], $0x1900  }
0x89: {  	[sflag:s18] =	ssyncset.done $0x0  }
0x8a: {  	s29 =	sadd.s32 $0x188, s24;
	[sflag:s18] =	ssyncadd.s32 $0xFFFFE700  }
0x8b: {  	[tilespmem:s22], [sflag:$0x4] =	stream.indirect.gather [hbm4b:s4+s14], $0x80, s29, s14, $0xb8;
	[tilespmem:$0x1FB80] =	vst v63  }
0x8c: {  	_ =	swait.ge [sflag:s23], $0x1900  }
0x8d: {  	[sflag:s23] =	ssyncset.done $0x0  }
0x8e: {  	s29 =	sadd.s32 $0x2CD8, s24;
	[sflag:s23] =	ssyncadd.s32 $0xFFFFE700  }
0x8f: {  	[spmem:s2] =	stream.indirect.scatter.add.f32 [tilespmem:s17], [sflag:$0x6], $0x80, s29, s14, $0xb8;
	[tilespmem:$0x1FB80] =	vst v63  }
0x90: {  	_ =	swait.ge [sflag:s28], $0x1900  }
0x91: {  	[sflag:s28] =	ssyncset.done $0x0  }
0x92: {  	s29 =	sadd.s32 $0x2D10, s24;
	[sflag:s28] =	ssyncadd.s32 $0xFFFFE700  }
0x93: {  	[spmem:s2] =	stream.indirect.scatter.add.f32 [tilespmem:s19], [sflag:$0x7], $0x80, s29, s14, $0xb8;
	[tilespmem:$0x1FB80] =	vst v63  }
0x94: {  	_ =	swait.ge [sflag:s0], $0x1900  }
0x95: {  	[sflag:s0] =	ssyncset.done $0x0  }
0x96: {  	s24 =	sadd.s32 $0x2D48, s24;
	[sflag:s0] =	ssyncadd.s32 $0xFFFFE700  }
0x97: {  	[spmem:s2] =	stream.indirect.scatter.add.f32 [tilespmem:s22], [sflag:$0x8], $0x80, s24, s14, $0xb8;
	[tilespmem:$0x1FB80] =	vst v63  }
0x98: {  	_ =	swait.ge [sflag:s25], $0x1900  }
0x99: {  	[sflag:s25] =	ssyncset.done $0x0  }
0x9a: {  	[sflag:s25] =	ssyncadd.s32 $0xFFFFE700  }
0x9b: {  	_ =	swait.ge [sflag:s30], $0x1900  }
0x9c: {  	[sflag:s30] =	ssyncset.done $0x0  }
0x9d: {  	[sflag:s30] =	ssyncadd.s32 $0xFFFFE700  }
0x9e: {  	_ =	swait.ge [sflag:s16], $0x1900  }
0x9f: {  	[sflag:s16] =	ssyncset.done $0x0  }
0xa0: {  	[sflag:s16] =	ssyncadd.s32 $0xFFFFE700  }
0xa1: {  	_ =	swait.ge [sflag:s18], $0x1900  }
0xa2: {  	s21 =	sadd.s32 $0x1, s21;
	[sflag:s18] =	ssyncset.done $0x0  }
0xa3: {  	p0 =	sne.s32 s21, s10;
	[sflag:s18] =	ssyncadd.s32 $0xFFFFE700  }
.Ltmp1:
0xa4: {  	[bflag:$0x0] =	sbarrier.arrive $0xFFFF;
	(pc) =	sbr.rel @p0 .LBB2_1-.Ltmp1, $4  }
0xa5: {  	[hbm:s9], [sflag:s6] =	dma.local [spmem:s11], $0x2800  }
0xa6: {  	_ =	swait.ge [sflag:s12], $0x2800  }
0xa7: {  	[sflag:s12] =	ssyncset.done $0x0  }
0xa8: {  	[sflag:s12] =	ssyncadd.s32 $0xFFFFD800  }
0xa9: {  	_ =	sfence.sel $0x180000  }
0xaa: {  	[bflag:$0x0] =	sbarrier.arrive $0xFFFF  }
0xab: {  	_ =	strace $0x9000004A  }
0xac: {  	s0 =	stileid.u32;
	[bflag:$0x2] =	sbarrier.arrive $0xFFFF  }
0xad: {  	p0 =	sne.s32 s0, $0x0;
	s0 =	rddreg [dreg:$0x2]  }
0xae: {  	s0 =	sadd.s32 @!p0 $0x100000, s0  }
0xaf: {  	[sflag:s0] =	ssyncadd.tile.s32 @!p0 $0x1;
	_ =	shalt  }
.Lfunc_end2:
_tile_overlayer_lowered:
.L_overlay_start_2:
0xb0: {  	(tag) =	ssettag $0x2  }
0xb1: {  	s0 =	rddreg [dreg:$0x0];
	s2 =	stileid.u32  }
0xb2: {  	s1 =	rddreg [dreg:$0x1];
	p0 =	sne.s32 s2, $0x0  }
0xb3: {  	s3 =	rddreg [dreg:$0x2];
	[bflag:$0x3] =	sbarrier.arrive $0xFFFF;
	s2 =	simm.s32 @!p0 $0x1C09  }
0xb4: {  	[timem:s3], [sflag:s2] =	dma.local @!p0 [hbm:s0], s1  }
0xb5: {  	s0 =	simm.s32 @!p0 $0x9  }
0xb6: {  	_ =	swait.ge @!p0 [sflag:s0], s1  }
0xb7: {  	s1 =	ssub.s32 @!p0 $0x0, s1;
	[sflag:s0] =	ssyncset.done @!p0 $0x0  }
0xb8: {  	[sflag:s0] =	ssyncadd.s32 @!p0 s1  }
0xb9: {  	[bflag:$0x3] =	sbarrier.arrive $0xFFFF  }
0xba: {  	_ =	shalt  }

// kernel: kernel.14.cloned.1.call-start
scs
__scs_entry_jumppad:
0x0: {  	(pc) =	sbr.rel $0x88, $3  }
0x1: {  	(tag) =	ssettag $0x0;
	lr =	simm.s32 $0x1  }
0x2: {  	[smem:$0x3F9B] =	sst lr;
	_ =	strace $0xD0000000  }
0x3: {  	_ = 	snop  }
0x4: {  	_ = 	snop  }
0x5: {  	_ = 	snop  }
0x6: {  	_ = 	snop  }
0x7: {  	_ = 	snop  }
__scs_overlays_trampoline_lowered:
0x8: {  	[smem:$0x3FAA] =	sst s0  }
0x9: {  	[smem:$0x3FAB] =	sst s1  }
0xa: {  	[smem:$0x3FAC] =	sst s2  }
0xb: {  	[smem:$0x3FAD] =	sst s3  }
0xc: {  	[smem:$0x3FAE] =	sst s4  }
0xd: {  	[smem:$0x3FAF] =	sst s5  }
0xe: {  	[smem:$0x3FB0] =	sst s6  }
0xf: {  	[smem:$0x3FB1] =	sst s7  }
0x10: {  	[smem:$0x3FB2] =	sst s8  }
0x11: {  	[smem:$0x3FB3] =	sst s9;
	s0 =	simm.s32 @!p0 $0x0  }
0x12: {  	s1 =	sld [smem:$0x3F99];
	s0 =	simm.s32 @p0 $0x1  }
0x13: {  	[smem:$0x3FB4] =	sst s0;
	s0 =	simm.s32 @!p1 $0x0  }
0x14: {  	s2 =	sld [smem:$0x3F98];
	s0 =	simm.s32 @p1 $0x1  }
0x15: {  	[smem:$0x3FB5] =	sst s0;
	s0 =	simm.s32 @!p2 $0x0  }
0x16: {  	s3 =	sld [smem:$0x3FDB];
	s0 =	simm.s32 @p2 $0x1  }
0x17: {  	s4 =	simm.s32 $0x1BF5;
	[smem:$0x3FB7] =	sst s0  }
0x18: {  	s0 =	sld [smem:$0x3F9A];
	_ =	swait.ge [sflag:s4], $0x0  }
0x19: {  	s7 =	sld [smem:$0x3F9B]  }
0x1a: {  	s8 =	sadd.s32 $0xFFFFE003, lr  }
0x1b: {  	s9 =	sadd.s32 $0xFFFFFEF7, lr;
	s5 =	simm.s32 $0xFFFFFFFF;
	p2 =	slt.u32 s8, $0xFFFFF086  }
0x1c: {  	p1 =	slt.u32 s9, $0xF7A;
	s5 =	simm.s32 @!p2 $0x0  }
0x1d: {  	s5 =	simm.s32 @p1 $0x1;
	p0 =	seq.s32 s7, s2  }
0x1e: {  	s7 =	smul.u32 @!p0 $0xF7A, s2;
	p2 =	seq.s32 @!p0 s5, $0x0  }
0x1f: {  	s9 =	smul.u32 $0xF7A, s1;
	s8 =	simm.s32 @!p0 $0x1BF5;
	p2 =	por !p2, p0  }
0x20: {  	[sflag:s8] =	ssyncset.s32 @!p0 $0xFFFFF086;
	s6 =	sadd.s32 @!p0 s3, s7;
	s7 =	simm.s32 @!p0 $0x108  }
0x21: {  	s3 =	sadd.s32 s3, s9;
	s6 =	sadd.s32 @!p0 $0x88, s6;
	s7 =	simm.s32 @p2 $0x1082  }
0x22: {  	[simem:s7], [sflag:s8] =	dma.local @!p0 [hbm:s6], $0xF7A  }
0x23: {  	s9 =	sor.u32 $0xD0000000, s2;
	s6 =	simm.s32 $0x108;
	_ =	swait.ge @!p0 [sflag:s8], $0x0  }
0x24: {  	s3 =	sadd.s32 $0x88, s3;
	s6 =	simm.s32 @!p1 $0x1082;
	[sflag:s4] =	ssyncset.s32 $0xFFFFF086  }
0x25: {  	[simem:s6], [sflag:s4] =	dma.local [hbm:s3], $0xF7A  }
0x26: {  	[smem:$0x3F9B] =	sst s1;
	(tag) =	ssettag s2;
	_ =	strace s9  }
0x27: {  	s1 =	sld [smem:$0x3FAB]  }
0x28: {  	s2 =	sld [smem:$0x3FAC]  }
0x29: {  	s4 =	sld [smem:$0x3FAE]  }
0x2a: {  	p0 =	seq.s32 s5, $0x0;
	s5 =	sld [smem:$0x3FAF]  }
0x2b: {  	s6 =	sld [smem:$0x3FB0]  }
0x2c: {  	s7 =	sld [smem:$0x3FB1]  }
0x2d: {  	s3 =	simm.s32 $0x108;
	s8 =	sld [smem:$0x3FB2]  }
0x2e: {  	s3 =	simm.s32 @!p0 $0x1082;
	s9 =	sld [smem:$0x3FB3]  }
0x2f: {  	lr =	sadd.s32 s0, s3;
	s0 =	sld [smem:$0x3FAA]  }
0x30: {  	s3 =	sld [smem:$0x3FAD]  }
0x31: {  	[smem:$0x3FB6] =	sst s10  }
0x32: {  	s10 =	sld [smem:$0x3FB4];
	_ =	sdelay $0x3  }
0x33: {  	p0 =	seq.s32 s10, $0x1;
	s10 =	sld [smem:$0x3FB6];
	_ =	sdelay $0x3  }
0x34: {  	[smem:$0x3FB6] =	sst s10  }
0x35: {  	s10 =	sld [smem:$0x3FB5];
	_ =	sdelay $0x3  }
0x36: {  	p1 =	seq.s32 s10, $0x1;
	s10 =	sld [smem:$0x3FB6];
	_ =	sdelay $0x3  }
0x37: {  	[smem:$0x3FB6] =	sst s10  }
0x38: {  	s10 =	sld [smem:$0x3FB7]  }
0x39: {  	_ = 	snop;
	(pc) =	sbr.ind lr, $3  }
0x3a: {  	_ = 	snop  }
0x3b: {  	_ = 	snop  }
0x3c: {  	p2 =	seq.s32 s10, $0x1;
	s10 =	sld [smem:$0x3FB6]  }
0x3d: {  	_ =	shalt  }
0x3e: {  	_ =	shalt  }
0x3f: {  	_ =	shalt  }
0x40: {  	_ =	shalt  }
0x41: {  	_ =	shalt  }
0x42: {  	_ =	shalt  }
0x43: {  	_ =	shalt  }
0x44: {  	_ =	shalt  }
0x45: {  	_ =	shalt  }
0x46: {  	_ =	shalt  }
0x47: {  	_ =	shalt  }
0x48: {  	_ =	shalt  }
0x49: {  	_ =	shalt  }
0x4a: {  	_ =	shalt  }
0x4b: {  	_ =	shalt  }
0x4c: {  	_ =	shalt  }
0x4d: {  	_ =	shalt  }
0x4e: {  	_ =	shalt  }
0x4f: {  	_ =	shalt  }
0x50: {  	_ =	shalt  }
0x51: {  	_ =	shalt  }
0x52: {  	_ =	shalt  }
0x53: {  	_ =	shalt  }
0x54: {  	_ =	shalt  }
0x55: {  	_ =	shalt  }
0x56: {  	_ =	shalt  }
0x57: {  	_ =	shalt  }
0x58: {  	_ =	shalt  }
0x59: {  	_ =	shalt  }
0x5a: {  	_ =	shalt  }
0x5b: {  	_ =	shalt  }
0x5c: {  	_ =	shalt  }
0x5d: {  	_ =	shalt  }
0x5e: {  	_ =	shalt  }
0x5f: {  	_ =	shalt  }
0x60: {  	_ =	shalt  }
0x61: {  	_ =	shalt  }
0x62: {  	_ =	shalt  }
0x63: {  	_ =	shalt  }
0x64: {  	_ =	shalt  }
0x65: {  	_ =	shalt  }
0x66: {  	_ =	shalt  }
0x67: {  	_ =	shalt  }
0x68: {  	_ =	shalt  }
0x69: {  	_ =	shalt  }
0x6a: {  	_ =	shalt  }
0x6b: {  	_ =	shalt  }
0x6c: {  	_ =	shalt  }
0x6d: {  	_ =	shalt  }
0x6e: {  	_ =	shalt  }
0x6f: {  	_ =	shalt  }
0x70: {  	_ =	shalt  }
0x71: {  	_ =	shalt  }
0x72: {  	_ =	shalt  }
0x73: {  	_ =	shalt  }
0x74: {  	_ =	shalt  }
0x75: {  	_ =	shalt  }
0x76: {  	_ =	shalt  }
0x77: {  	_ =	shalt  }
0x78: {  	_ =	shalt  }
0x79: {  	_ =	shalt  }
0x7a: {  	_ =	shalt  }
0x7b: {  	_ =	shalt  }
0x7c: {  	_ =	shalt  }
0x7d: {  	_ =	shalt  }
0x7e: {  	_ =	shalt  }
0x7f: {  	_ =	shalt  }
0x80: {  	_ =	shalt  }
0x81: {  	_ =	shalt  }
0x82: {  	_ =	shalt  }
0x83: {  	_ =	shalt  }
0x84: {  	_ =	shalt  }
0x85: {  	_ =	shalt  }
0x86: {  	_ =	shalt  }
0x87: {  	_ =	shalt  }
.Lfunc_end0:
.L_simem_size_0:
called_computation.2_lowered:
.L_overlay_start_0:
0x88: {  	s2 =	sld [smem:$0x3FD9]  }
0x89: {  	s3 =	sld [smem:$0x3FFE];
	_ =	sdelay $0x1  }
0x8a: {  	s1 =	srdreg.scid  }
0x8b: {  	s0 =	sand.u32 $0x1, s1  }
0x8c: {  	s17 =	sshll.u32 s0, $0xA;
	s2 =	sadd.s32 s3, s2  }
0x8d: {  	s2 =	sadd.s32 s2, s17  }
0x8e: {  	[smem:$0x3FC2] =	sst s2  }
0x8f: {  	_ = 	snop  }
0x90: {  	s2 =	sld [smem:$0x3FD0];
	(tm) =	ssettm $0x1  }
0x91: {  	s18 =	sld [smem:$0x3FFB];
	_ =	sdelay $0x3  }
0x92: {  	_ =	strace s18  }
0x93: {  	s3 =	sld [smem:$0x3FFC];
	_ =	sdelay $0x3  }
0x94: {  	_ =	strace s3  }
0x95: {  	s3 =	sld [smem:$0x3FFD];
	_ =	sdelay $0x3  }
0x96: {  	_ =	strace s3  }
0x97: {  	_ =	strace $0x8FFFFFFF  }
0x98: {  	s19 =	sld [smem:$0x3FDB];
	_ =	sdelay $0x1  }
0x99: {  	s4 =	simm.s32 $_scs_section_size  }
0x9a: {  	s5 =	simm.s32 $_size__tile_overlayer_lowered;
	s6 =	simm.s32 $_tile_overlayer_lowered  }
0x9b: {  	s22 =	simm.s32 $0x1BFF;
	s21 =	sshll.u32 s6, $0x1;
	s3 =	sadd.s32 s4, s19  }
0x9c: {  	s7 =	simm.s32 $0x0;
	s20 =	sshll.u32 s5, $0x1;
	s5 =	sadd.s32 s21, s3  }
0x9d: {  	[timem:s7], [sflag:s22] =	dma.local [hbm:s5], s20  }
0x9e: {  	_ =	swait.ge [sflag:s22], s20  }
0x9f: {  	s4 =	ssub.s32 $0x0, s20;
	[sflag:s22] =	ssyncset.done $0x0  }
0xa0: {  	[sflag:s22] =	ssyncadd.s32 s4;
	_ =	sdelay $0x1  }
0xa1: {  	s23 =	simm.s32 $0x1B8B  }
0xa2: {  	_ =	swait.ge [sflag:s23], $0x1  }
0xa3: {  	[sflag:s23] =	ssyncset.done $0x0  }
0xa4: {  	s25 =	simm.s32 $0x1B8E;
	s24 =	sld [smem:$0x3FFE];
	[sflag:s23] =	ssyncadd.s32 $0xFFFFFFFF  }
0xa5: {  	s26 =	simm.s32 $execute0_lowered;
	[smem:$0x3FD2] =	sst s25  }
0xa6: {  	s5 =	sshll.u32 s26, $0x1;
	_ =	strace $0x8000004C;
	[dreg:$0x1] =	wrdreg $0xFFFFFFFF  }
0xa7: {  	s28 =	simm.s32 $_size_execute0_lowered;
	s3 =	sadd.s32 s3, s5;
	[dreg:$0x0] =	wrdreg $0x0  }
0xa8: {  	s5 =	sshll.u32 s28, $0x1;
	[dreg:$0x2] =	wrdreg s3  }
0xa9: {  	[dreg:$0x3] =	wrdreg s5  }
0xaa: {  	[dreg:$0x4] =	wrdreg $0xC0  }
0xab: {  	_ =	task [dreg:s7], $0x5FFFF  }
0xac: {  	[dreg:$0x1] =	wrdreg $0xFFFFFFFF  }
0xad: {  	[dreg:$0x0] =	wrdreg $0x60  }
0xae: {  	[dreg:$0x2] =	wrdreg s2  }
0xaf: {  	[dreg:$0x3] =	wrdreg s24  }
0xb0: {  	[dreg:$0x4] =	wrdreg $0xCD000  }
0xb1: {  	[dreg:$0x5] =	wrdreg $0x9  }
0xb2: {  	_ =	task.clear_ibuf [dreg:s7], $0x6FFFF;
	_ =	strace $0x9000004C  }
0xb3: {  	s29 =	simm.s32 $0x9;
	_ =	strace $0x8000004E  }
0xb4: {  	_ =	swait.ge [sflag:s29], $0x1  }
0xb5: {  	[sflag:s29] =	ssyncadd.s32 $0xFFFFFFFF  }
0xb6: {  	_ =	strace $0x9000004E  }
0xb7: {  	_ =	sfence  }
0xb8: {  	s30 =	sld [smem:$0x0];
	_ =	sdelay $0x2  }
0xb9: {  	s31 =	sshll.u32 s1, $0xD;
	s1 =	sshrl.u32 s1, $0x2  }
0xba: {  	s3 =	sand.u32 $0x4000, s31;
	s1 =	sadd.s32 s1, s30  }
0xbb: {  	s0 =	sor.u32 s3, s0;
	s1 =	sshll.u32 s1, $0x11  }
0xbc: {  	s0 =	sor.u32 s1, s0  }
0xbd: {  	s0 =	sadd.s32 $0x8F2B, s0  }
0xbe: {  	[sflag:s0] =	ssyncadd.remote.s32 $0x1  }
0xbf: {  	_ =	sfence.sel $0xFFFF  }
0xc0: {  	[dreg:$0x0] =	wrdreg $0xFFFFFFFF;
	(pc) =	sbr.abs _section_cstart, $3  }
0xc1: {  	[dreg:$0x1] =	wrdreg $0xFFFFFFFF  }
0xc2: {  	_ =	task.clear_ibuf [dreg:s7], $0x2FFFF;
	_ =	strace $0x9FFFFFFF  }
0xc3: {  	(tm) =	ssettm $0x7FFFFFFF  }
tec
execute0_lowered:
.L_overlay_start_1:
0x0: {  	(tag) =	ssettag $0x1  }
0x1: {  	s1 =	rddreg [dreg:$0x0]  }
0x2: {  	s0 =	rddreg [dreg:$0x1]  }
0x3: {  	s3 =	rddreg [dreg:$0x2];
	s4 =	simm.s32 $0x0;
	s13 =	stileid.u32  }
0x4: {  	s2 =	srdreg.scid;
	s14 =	simm.s32 $0x7D;
	s15 =	simm.s32 $0x5000  }
0x5: {  	s17 =	simm.s32 $0x6F40;
	s19 =	simm.s32 $0x8E80;
	s20 =	simm.s32 $0x1  }
0x6: {  	s22 =	simm.s32 $0xADC0;
	s23 =	simm.s32 $0x2;
	s28 =	simm.s32 $0x3  }
0x7: {  	s30 =	simm.s32 $0x6;
	s16 =	simm.s32 $0x7;
	s18 =	simm.s32 $0x8  }
0x8: {  	s31 =	simm.s32 $0x4F00;
	s21 =	simm.s32 $0x0;
	[smem:$0x7FF] =	sst s4  }
0x9: {  	s5 =	smul.u32 $0xA000, s13;
	s2 =	sand.u32 $0x1, s2;
	s7 =	sadd.s32 $0x2000, s0  }
0xa: {  	s26 =	sshll.u32 s13, $0x6;
	_ =	strace $0x8000004D;
	s6 =	smul.u32 $0xA0000, s2  }
0xb: {  	s9 =	sshll.u32 s2, $0x4;
	s2 =	ssub.s32 $0x2, s2;
	s8 =	sshrl.u32 s5, $0x3  }
0xc: {  	s9 =	sor.u32 s13, s9;
	s10 =	sshrl.u32 s2, $0x1;
	s12 =	sadd.s32 s5, s3  }
0xd: {  	s13 =	simm.s32 $0x2800;
	s6 =	sadd.s32 s5, s6;
	s11 =	smul.u32 $0x2800, s9  }
0xe: {  	s8 =	sadd.s32 s8, s0;
	s2 =	ssub.s32 s2, s10;
	s9 =	smul.u32 $0x500, s9  }
0xf: {  	s6 =	sshrl.u32 s6, $0x3;
	s5 =	sadd.s32 $0x16000, s8;
	s10 =	smax.u32 s2, $0x1  }
0x10: {  	s2 =	simm.s32 $0x4F80;
	s0 =	sadd.s32 s6, s0;
	s25 =	sshrl.u32 s11, $0x3  }
0x11: {  	s6 =	sor.u32 $0x1C09, s26;
	s11 =	sshrl.u32 s12, $0x3;
	s12 =	simm.s32 $0x9  }
0x12: {  	s29 =	sadd.s32 s7, s25;
	s7 =	sadd.s32 s7, s9;
	s9 =	sadd.s32 $0x2A000, s0  }
0x13: {  	s25 =	simm.s32 $0x5;
	s0 =	simm.s32 $0x4;
	s8 =	sadd.s32 $0xA000, s29  }
.LBB2_1:
0x14: {  	[spmem:s11], [sflag:s6] =	dma.local [hbm:s5], $0x1400  }
0x15: {  	_ =	swait.ge [sflag:s12], $0x1400  }
0x16: {  	[sflag:s12] =	ssyncset.done $0x0  }
0x17: {  	[sflag:s12] =	ssyncadd.s32 $0xFFFFEC00  }
0x18: {  	[tilespmem:s4], [sflag:$0x9] =	stream.linear.gather [hbm4b:s7+s4], $0x2800, $0x38;
	[tilespmem:$0x16D00] =	vst v63  }
0x19: {  	_ =	swait.ge [sflag:s12], $0x2800  }
0x1a: {  	[sflag:s12] =	ssyncset.done $0x0  }
0x1b: {  	[sflag:s12] =	ssyncadd.s32 $0xFFFFD800  }
0x1c: {  	[tilespmem:s13], [sflag:$0x9] =	stream.linear.gather [hbm4b:s8+s4], $0x2800, $0x38;
	[tilespmem:$0x16D00] =	vst v63  }
0x1d: {  	_ =	swait.ge [sflag:s12], $0x2800  }
0x1e: {  	[sflag:s12] =	ssyncset.done $0x0  }
0x1f: {  	[sflag:s12] =	ssyncadd.s32 $0xFFFFD800  }
0x20: {  	[bflag:$0x0] =	sbarrier.arrive $0xFFFF  }
0x21: {  	[tilespmem:s15], [sflag:$0x1] =	stream.indirect.gather [hbm4b:s1+s14], $0x40, s4, s14, $0xb8;
	[tilespmem:$0x16D00] =	vst v63  }
0x22: {  	s24 =	simm.s32 $0x80  }
0x23: {  	[tilespmem:s17], [sflag:$0x2] =	stream.indirect.gather [hbm4b:s1+s14], $0x40, s24, s14, $0xb8;
	[tilespmem:$0x16D00] =	vst v63  }
0x24: {  	s26 =	simm.s32 $0x100  }
0x25: {  	[tilespmem:s19], [sflag:$0x3] =	stream.indirect.gather [hbm4b:s1+s14], $0x40, s26, s14, $0xb8;
	[tilespmem:$0x16D00] =	vst v63  }
0x26: {  	_ =	swait.ge [sflag:s20], $0x1F40  }
0x27: {  	[sflag:s20] =	ssyncset.done $0x0  }
0x28: {  	[sflag:s20] =	ssyncadd.s32 $0xFFFFE0C0  }
0x29: {  	[spmem:s3] =	stream.indirect.scatter.add.f32 [tilespmem:s15], [sflag:$0x5], $0x40, s13, s14, $0xb8;
	[tilespmem:$0x16D00] =	vst v63  }
0x2a: {  	s29 =	simm.s32 $0x180  }
0x2b: {  	[tilespmem:s22], [sflag:$0x4] =	stream.indirect.gather [hbm4b:s1+s14], $0x40, s29, s14, $0xb8;
	[tilespmem:$0x16D00] =	vst v63  }
0x2c: {  	_ =	swait.ge [sflag:s23], $0x1F40  }
0x2d: {  	[sflag:s23] =	ssyncset.done $0x0  }
0x2e: {  	s26 =	simm.s32 $0x2880;
	[sflag:s23] =	ssyncadd.s32 $0xFFFFE0C0  }
0x2f: {  	[spmem:s3] =	stream.indirect.scatter.add.f32 [tilespmem:s17], [sflag:$0x6], $0x40, s26, s14, $0xb8;
	[tilespmem:$0x16D00] =	vst v63  }
0x30: {  	_ =	swait.ge [sflag:s25], $0x1F40  }
0x31: {  	[sflag:s25] =	ssyncset.done $0x0  }
0x32: {  	s29 =	simm.s32 $0x200;
	[sflag:s25] =	ssyncadd.s32 $0xFFFFE0C0  }
0x33: {  	[tilespmem:s15], [sflag:$0x1] =	stream.indirect.gather [hbm4b:s1+s14], $0x40, s29, s14, $0xb8;
	[tilespmem:$0x16D00] =	vst v63  }
0x34: {  	_ =	swait.ge [sflag:s28], $0x1F40  }
0x35: {  	[sflag:s28] =	ssyncset.done $0x0  }
0x36: {  	s26 =	simm.s32 $0x2900;
	[sflag:s28] =	ssyncadd.s32 $0xFFFFE0C0  }
0x37: {  	[spmem:s3] =	stream.indirect.scatter.add.f32 [tilespmem:s19], [sflag:$0x7], $0x40, s26, s14, $0xb8;
	[tilespmem:$0x16D00] =	vst v63  }
0x38: {  	_ =	swait.ge [sflag:s30], $0x1F40  }
0x39: {  	[sflag:s30] =	ssyncset.done $0x0  }
0x3a: {  	s29 =	simm.s32 $0x280;
	[sflag:s30] =	ssyncadd.s32 $0xFFFFE0C0  }
0x3b: {  	[tilespmem:s17], [sflag:$0x2] =	stream.indirect.gather [hbm4b:s1+s14], $0x40, s29, s14, $0xb8;
	[tilespmem:$0x16D00] =	vst v63  }
0x3c: {  	_ =	swait.ge [sflag:s0], $0x1F40  }
0x3d: {  	[sflag:s0] =	ssyncset.done $0x0  }
0x3e: {  	s26 =	simm.s32 $0x2980;
	[sflag:s0] =	ssyncadd.s32 $0xFFFFE0C0  }
0x3f: {  	[spmem:s3] =	stream.indirect.scatter.add.f32 [tilespmem:s22], [sflag:$0x8], $0x40, s26, s14, $0xb8;
	[tilespmem:$0x16D00] =	vst v63  }
0x40: {  	_ =	swait.ge [sflag:s16], $0x1F40  }
0x41: {  	[sflag:s16] =	ssyncset.done $0x0  }
0x42: {  	s29 =	simm.s32 $0x300;
	[sflag:s16] =	ssyncadd.s32 $0xFFFFE0C0  }
0x43: {  	[tilespmem:s19], [sflag:$0x3] =	stream.indirect.gather [hbm4b:s1+s14], $0x40, s29, s14, $0xb8;
	[tilespmem:$0x16D00] =	vst v63  }
0x44: {  	_ =	swait.ge [sflag:s20], $0x1F40  }
0x45: {  	[sflag:s20] =	ssyncset.done $0x0  }
0x46: {  	s26 =	simm.s32 $0x2A00;
	[sflag:s20] =	ssyncadd.s32 $0xFFFFE0C0  }
0x47: {  	[spmem:s3] =	stream.indirect.scatter.add.f32 [tilespmem:s15], [sflag:$0x5], $0x40, s26, s14, $0xb8;
	[tilespmem:$0x16D00] =	vst v63  }
0x48: {  	_ =	swait.ge [sflag:s18], $0x1F40  }
0x49: {  	[sflag:s18] =	ssyncset.done $0x0  }
0x4a: {  	s29 =	simm.s32 $0x380;
	[sflag:s18] =	ssyncadd.s32 $0xFFFFE0C0  }
0x4b: {  	[tilespmem:s22], [sflag:$0x4] =	stream.indirect.gather [hbm4b:s1+s14], $0x40, s29, s14, $0xb8;
	[tilespmem:$0x16D00] =	vst v63  }
0x4c: {  	_ =	swait.ge [sflag:s23], $0x1F40  }
0x4d: {  	[sflag:s23] =	ssyncset.done $0x0  }
0x4e: {  	s26 =	simm.s32 $0x2A80;
	[sflag:s23] =	ssyncadd.s32 $0xFFFFE0C0  }
0x4f: {  	[spmem:s3] =	stream.indirect.scatter.add.f32 [tilespmem:s17], [sflag:$0x6], $0x40, s26, s14, $0xb8;
	[tilespmem:$0x16D00] =	vst v63  }
0x50: {  	_ =	swait.ge [sflag:s25], $0x1F40  }
0x51: {  	[sflag:s25] =	ssyncset.done $0x0  }
0x52: {  	s29 =	simm.s32 $0x400;
	[sflag:s25] =	ssyncadd.s32 $0xFFFFE0C0  }
0x53: {  	[tilespmem:s15], [sflag:$0x1] =	stream.indirect.gather [hbm4b:s1+s14], $0x40, s29, s14, $0xb8;
	[tilespmem:$0x16D00] =	vst v63  }
0x54: {  	_ =	swait.ge [sflag:s28], $0x1F40  }
0x55: {  	[sflag:s28] =	ssyncset.done $0x0  }
0x56: {  	s26 =	simm.s32 $0x2B00;
	[sflag:s28] =	ssyncadd.s32 $0xFFFFE0C0  }
0x57: {  	[spmem:s3] =	stream.indirect.scatter.add.f32 [tilespmem:s19], [sflag:$0x7], $0x40, s26, s14, $0xb8;
	[tilespmem:$0x16D00] =	vst v63  }
0x58: {  	_ =	swait.ge [sflag:s30], $0x1F40  }
0x59: {  	[sflag:s30] =	ssyncset.done $0x0  }
0x5a: {  	s29 =	simm.s32 $0x480;
	[sflag:s30] =	ssyncadd.s32 $0xFFFFE0C0  }
0x5b: {  	[tilespmem:s17], [sflag:$0x2] =	stream.indirect.gather [hbm4b:s1+s14], $0x40, s29, s14, $0xb8;
	[tilespmem:$0x16D00] =	vst v63  }
0x5c: {  	_ =	swait.ge [sflag:s0], $0x1F40  }
0x5d: {  	[sflag:s0] =	ssyncset.done $0x0  }
0x5e: {  	s24 =	simm.s32 $0x800;
	s26 =	simm.s32 $0x2B80;
	[sflag:s0] =	ssyncadd.s32 $0xFFFFE0C0  }
.LBB2_2:
0x5f: {  	[spmem:s3] =	stream.indirect.scatter.add.f32 [tilespmem:s22], [sflag:$0x8], $0x40, s26, s14, $0xb8;
	[tilespmem:$0x16D00] =	vst v63  }
0x60: {  	s26 =	smov.u32 s24  }
0x61: {  	p0 =	sne.s32 s24, $0x8800;
	s24 =	sadd.s32 $0x800, s24;
	_ =	swait.ge [sflag:s16], $0x1F40  }
0x62: {  	s26 =	sshra.s32 s26, $0x2;
	[sflag:s16] =	ssyncset.done $0x0  }
0x63: {  	s29 =	sadd.s32 $0x300, s26;
	[sflag:s16] =	ssyncadd.s32 $0xFFFFE0C0  }
0x64: {  	[tilespmem:s19], [sflag:$0x3] =	stream.indirect.gather [hbm4b:s1+s14], $0x40, s29, s14, $0xb8;
	[tilespmem:$0x16D00] =	vst v63  }
0x65: {  	_ =	swait.ge [sflag:s20], $0x1F40  }
0x66: {  	[sflag:s20] =	ssyncset.done $0x0  }
0x67: {  	s29 =	sadd.s32 $0x2A00, s26;
	[sflag:s20] =	ssyncadd.s32 $0xFFFFE0C0  }
0x68: {  	[spmem:s3] =	stream.indirect.scatter.add.f32 [tilespmem:s15], [sflag:$0x5], $0x40, s29, s14, $0xb8;
	[tilespmem:$0x16D00] =	vst v63  }
0x69: {  	_ =	swait.ge [sflag:s18], $0x1F40  }
0x6a: {  	[sflag:s18] =	ssyncset.done $0x0  }
0x6b: {  	s29 =	sadd.s32 $0x380, s26;
	[sflag:s18] =	ssyncadd.s32 $0xFFFFE0C0  }
0x6c: {  	[tilespmem:s22], [sflag:$0x4] =	stream.indirect.gather [hbm4b:s1+s14], $0x40, s29, s14, $0xb8;
	[tilespmem:$0x16D00] =	vst v63  }
0x6d: {  	_ =	swait.ge [sflag:s23], $0x1F40  }
0x6e: {  	[sflag:s23] =	ssyncset.done $0x0  }
0x6f: {  	s29 =	sadd.s32 $0x2A80, s26;
	[sflag:s23] =	ssyncadd.s32 $0xFFFFE0C0  }
0x70: {  	[spmem:s3] =	stream.indirect.scatter.add.f32 [tilespmem:s17], [sflag:$0x6], $0x40, s29, s14, $0xb8;
	[tilespmem:$0x16D00] =	vst v63  }
0x71: {  	_ =	swait.ge [sflag:s25], $0x1F40  }
0x72: {  	[sflag:s25] =	ssyncset.done $0x0  }
0x73: {  	s29 =	sadd.s32 $0x400, s26;
	[sflag:s25] =	ssyncadd.s32 $0xFFFFE0C0  }
0x74: {  	[tilespmem:s15], [sflag:$0x1] =	stream.indirect.gather [hbm4b:s1+s14], $0x40, s29, s14, $0xb8;
	[tilespmem:$0x16D00] =	vst v63  }
0x75: {  	_ =	swait.ge [sflag:s28], $0x1F40  }
0x76: {  	[sflag:s28] =	ssyncset.done $0x0  }
0x77: {  	s29 =	sadd.s32 $0x2B00, s26;
	[sflag:s28] =	ssyncadd.s32 $0xFFFFE0C0  }
0x78: {  	[spmem:s3] =	stream.indirect.scatter.add.f32 [tilespmem:s19], [sflag:$0x7], $0x40, s29, s14, $0xb8;
	[tilespmem:$0x16D00] =	vst v63  }
0x79: {  	_ =	swait.ge [sflag:s30], $0x1F40  }
0x7a: {  	[sflag:s30] =	ssyncset.done $0x0  }
.Ltmp0:
0x7b: {  	s29 =	sadd.s32 $0x480, s26;
	[sflag:s30] =	ssyncadd.s32 $0xFFFFE0C0;
	(pc) =	sbr.rel @p0 .LBB2_2-.Ltmp0, $4  }
0x7c: {  	[tilespmem:s17], [sflag:$0x2] =	stream.indirect.gather [hbm4b:s1+s14], $0x40, s29, s14, $0xb8;
	[tilespmem:$0x16D00] =	vst v63  }
0x7d: {  	_ =	swait.ge [sflag:s0], $0x1F40  }
0x7e: {  	[sflag:s0] =	ssyncset.done $0x0  }
0x7f: {  	s26 =	sadd.s32 $0x2B80, s26;
	[sflag:s0] =	ssyncadd.s32 $0xFFFFE0C0  }
0x80: {  	[spmem:s3] =	stream.indirect.scatter.add.f32 [tilespmem:s22], [sflag:$0x8], $0x40, s26, s14, $0xb8;
	[tilespmem:$0x16D00] =	vst v63  }
0x81: {  	_ =	swait.ge [sflag:s16], $0x1F40  }
0x82: {  	[sflag:s16] =	ssyncset.done $0x0  }
0x83: {  	s24 =	simm.s32 $0x2700;
	[sflag:s16] =	ssyncadd.s32 $0xFFFFE0C0  }
0x84: {  	[tilespmem:s19], [sflag:$0x3] =	stream.indirect.gather [hbm4b:s1+s14], $0x40, s24, s14, $0xb8;
	[tilespmem:$0x16D00] =	vst v63  }
0x85: {  	_ =	swait.ge [sflag:s20], $0x1F40  }
0x86: {  	[sflag:s20] =	ssyncset.done $0x0  }
0x87: {  	s29 =	simm.s32 $0x4E00;
	[sflag:s20] =	ssyncadd.s32 $0xFFFFE0C0  }
0x88: {  	[spmem:s3] =	stream.indirect.scatter.add.f32 [tilespmem:s15], [sflag:$0x5], $0x40, s29, s14, $0xb8;
	[tilespmem:$0x16D00] =	vst v63  }
0x89: {  	_ =	swait.ge [sflag:s18], $0x1F40  }
0x8a: {  	[sflag:s18] =	ssyncset.done $0x0  }
0x8b: {  	s26 =	simm.s32 $0x2780;
	[sflag:s18] =	ssyncadd.s32 $0xFFFFE0C0  }
0x8c: {  	[tilespmem:s22], [sflag:$0x4] =	stream.indirect.gather [hbm4b:s1+s14], $0x40, s26, s14, $0xb8;
	[tilespmem:$0x16D00] =	vst v63  }
0x8d: {  	_ =	swait.ge [sflag:s23], $0x1F40  }
0x8e: {  	[sflag:s23] =	ssyncset.done $0x0  }
0x8f: {  	s29 =	simm.s32 $0x4E80;
	[sflag:s23] =	ssyncadd.s32 $0xFFFFE0C0  }
0x90: {  	[spmem:s3] =	stream.indirect.scatter.add.f32 [tilespmem:s17], [sflag:$0x6], $0x40, s29, s14, $0xb8;
	[tilespmem:$0x16D00] =	vst v63  }
0x91: {  	_ =	swait.ge [sflag:s28], $0x1F40  }
0x92: {  	[sflag:s28] =	ssyncset.done $0x0  }
0x93: {  	[sflag:s28] =	ssyncadd.s32 $0xFFFFE0C0  }
0x94: {  	[spmem:s3] =	stream.indirect.scatter.add.f32 [tilespmem:s19], [sflag:$0x7], $0x40, s31, s14, $0xb8;
	[tilespmem:$0x16D00] =	vst v63  }
0x95: {  	_ =	swait.ge [sflag:s0], $0x1F40  }
0x96: {  	[sflag:s0] =	ssyncset.done $0x0  }
0x97: {  	[sflag:s0] =	ssyncadd.s32 $0xFFFFE0C0  }
0x98: {  	[spmem:s3] =	stream.indirect.scatter.add.f32 [tilespmem:s22], [sflag:$0x8], $0x40, s2, s14, $0xb8;
	[tilespmem:$0x16D00] =	vst v63  }
0x99: {  	_ =	swait.ge [sflag:s25], $0x1F40  }
0x9a: {  	[sflag:s25] =	ssyncset.done $0x0  }
0x9b: {  	[sflag:s25] =	ssyncadd.s32 $0xFFFFE0C0  }
0x9c: {  	_ =	swait.ge [sflag:s30], $0x1F40  }
0x9d: {  	[sflag:s30] =	ssyncset.done $0x0  }
0x9e: {  	[sflag:s30] =	ssyncadd.s32 $0xFFFFE0C0  }
0x9f: {  	_ =	swait.ge [sflag:s16], $0x1F40  }
0xa0: {  	[sflag:s16] =	ssyncset.done $0x0  }
0xa1: {  	[sflag:s16] =	ssyncadd.s32 $0xFFFFE0C0  }
0xa2: {  	_ =	swait.ge [sflag:s18], $0x1F40  }
0xa3: {  	s21 =	sadd.s32 $0x1, s21;
	[sflag:s18] =	ssyncset.done $0x0  }
0xa4: {  	p0 =	sne.s32 s21, s10;
	[sflag:s18] =	ssyncadd.s32 $0xFFFFE0C0  }
.Ltmp1:
0xa5: {  	[bflag:$0x0] =	sbarrier.arrive $0xFFFF;
	(pc) =	sbr.rel @p0 .LBB2_1-.Ltmp1, $4  }
0xa6: {  	[hbm:s9], [sflag:s6] =	dma.local [spmem:s11], $0x1400  }
0xa7: {  	_ =	swait.ge [sflag:s12], $0x1400  }
0xa8: {  	[sflag:s12] =	ssyncset.done $0x0  }
0xa9: {  	[sflag:s12] =	ssyncadd.s32 $0xFFFFEC00  }
0xaa: {  	_ =	sfence.sel $0x180000  }
0xab: {  	[bflag:$0x0] =	sbarrier.arrive $0xFFFF  }
0xac: {  	_ =	strace $0x9000004D  }
0xad: {  	s0 =	stileid.u32;
	[bflag:$0x2] =	sbarrier.arrive $0xFFFF  }
0xae: {  	p0 =	sne.s32 s0, $0x0;
	s0 =	rddreg [dreg:$0x3]  }
0xaf: {  	s0 =	sadd.s32 @!p0 $0x100000, s0  }
0xb0: {  	[sflag:s0] =	ssyncadd.tile.s32 @!p0 $0x1;
	_ =	shalt  }
.Lfunc_end2:
_tile_overlayer_lowered:
.L_overlay_start_2:
0xb1: {  	(tag) =	ssettag $0x2  }
0xb2: {  	s0 =	rddreg [dreg:$0x0];
	s2 =	stileid.u32  }
0xb3: {  	s1 =	rddreg [dreg:$0x1];
	p0 =	sne.s32 s2, $0x0  }
0xb4: {  	s3 =	rddreg [dreg:$0x2];
	[bflag:$0x3] =	sbarrier.arrive $0xFFFF;
	s2 =	simm.s32 @!p0 $0x1C09  }
0xb5: {  	[timem:s3], [sflag:s2] =	dma.local @!p0 [hbm:s0], s1  }
0xb6: {  	s0 =	simm.s32 @!p0 $0x9  }
0xb7: {  	_ =	swait.ge @!p0 [sflag:s0], s1  }
0xb8: {  	s1 =	ssub.s32 @!p0 $0x0, s1;
	[sflag:s0] =	ssyncset.done @!p0 $0x0  }
0xb9: {  	[sflag:s0] =	ssyncadd.s32 @!p0 s1  }
0xba: {  	[bflag:$0x3] =	sbarrier.arrive $0xFFFF  }
0xbb: {  	_ =	shalt  }

// kernel: kernel.8.cloned.1.call-start
scs
__scs_entry_jumppad:
0x0: {  	(pc) =	sbr.rel $0x88, $3  }
0x1: {  	(tag) =	ssettag $0x0;
	lr =	simm.s32 $0x1  }
0x2: {  	[smem:$0x3F9B] =	sst lr;
	_ =	strace $0xD0000000  }
0x3: {  	_ = 	snop  }
0x4: {  	_ = 	snop  }
0x5: {  	_ = 	snop  }
0x6: {  	_ = 	snop  }
0x7: {  	_ = 	snop  }
__scs_overlays_trampoline_lowered:
0x8: {  	[smem:$0x3FAA] =	sst s0  }
0x9: {  	[smem:$0x3FAB] =	sst s1  }
0xa: {  	[smem:$0x3FAC] =	sst s2  }
0xb: {  	[smem:$0x3FAD] =	sst s3  }
0xc: {  	[smem:$0x3FAE] =	sst s4  }
0xd: {  	[smem:$0x3FAF] =	sst s5  }
0xe: {  	[smem:$0x3FB0] =	sst s6  }
0xf: {  	[smem:$0x3FB1] =	sst s7  }
0x10: {  	[smem:$0x3FB2] =	sst s8  }
0x11: {  	[smem:$0x3FB3] =	sst s9;
	s0 =	simm.s32 @!p0 $0x0  }
0x12: {  	s1 =	sld [smem:$0x3F99];
	s0 =	simm.s32 @p0 $0x1  }
0x13: {  	[smem:$0x3FB4] =	sst s0;
	s0 =	simm.s32 @!p1 $0x0  }
0x14: {  	s2 =	sld [smem:$0x3F98];
	s0 =	simm.s32 @p1 $0x1  }
0x15: {  	[smem:$0x3FB5] =	sst s0;
	s0 =	simm.s32 @!p2 $0x0  }
0x16: {  	s3 =	sld [smem:$0x3FDB];
	s0 =	simm.s32 @p2 $0x1  }
0x17: {  	s4 =	simm.s32 $0x1BF5;
	[smem:$0x3FB7] =	sst s0  }
0x18: {  	s0 =	sld [smem:$0x3F9A];
	_ =	swait.ge [sflag:s4], $0x0  }
0x19: {  	s7 =	sld [smem:$0x3F9B]  }
0x1a: {  	s8 =	sadd.s32 $0xFFFFE003, lr  }
0x1b: {  	s9 =	sadd.s32 $0xFFFFFEF7, lr;
	s5 =	simm.s32 $0xFFFFFFFF;
	p2 =	slt.u32 s8, $0xFFFFF086  }
0x1c: {  	p1 =	slt.u32 s9, $0xF7A;
	s5 =	simm.s32 @!p2 $0x0  }
0x1d: {  	s5 =	simm.s32 @p1 $0x1;
	p0 =	seq.s32 s7, s2  }
0x1e: {  	s7 =	smul.u32 @!p0 $0xF7A, s2;
	p2 =	seq.s32 @!p0 s5, $0x0  }
0x1f: {  	s9 =	smul.u32 $0xF7A, s1;
	s8 =	simm.s32 @!p0 $0x1BF5;
	p2 =	por !p2, p0  }
0x20: {  	[sflag:s8] =	ssyncset.s32 @!p0 $0xFFFFF086;
	s6 =	sadd.s32 @!p0 s3, s7;
	s7 =	simm.s32 @!p0 $0x108  }
0x21: {  	s3 =	sadd.s32 s3, s9;
	s6 =	sadd.s32 @!p0 $0x88, s6;
	s7 =	simm.s32 @p2 $0x1082  }
0x22: {  	[simem:s7], [sflag:s8] =	dma.local @!p0 [hbm:s6], $0xF7A  }
0x23: {  	s9 =	sor.u32 $0xD0000000, s2;
	s6 =	simm.s32 $0x108;
	_ =	swait.ge @!p0 [sflag:s8], $0x0  }
0x24: {  	s3 =	sadd.s32 $0x88, s3;
	s6 =	simm.s32 @!p1 $0x1082;
	[sflag:s4] =	ssyncset.s32 $0xFFFFF086  }
0x25: {  	[simem:s6], [sflag:s4] =	dma.local [hbm:s3], $0xF7A  }
0x26: {  	[smem:$0x3F9B] =	sst s1;
	(tag) =	ssettag s2;
	_ =	strace s9  }
0x27: {  	s1 =	sld [smem:$0x3FAB]  }
0x28: {  	s2 =	sld [smem:$0x3FAC]  }
0x29: {  	s4 =	sld [smem:$0x3FAE]  }
0x2a: {  	p0 =	seq.s32 s5, $0x0;
	s5 =	sld [smem:$0x3FAF]  }
0x2b: {  	s6 =	sld [smem:$0x3FB0]  }
0x2c: {  	s7 =	sld [smem:$0x3FB1]  }
0x2d: {  	s3 =	simm.s32 $0x108;
	s8 =	sld [smem:$0x3FB2]  }
0x2e: {  	s3 =	simm.s32 @!p0 $0x1082;
	s9 =	sld [smem:$0x3FB3]  }
0x2f: {  	lr =	sadd.s32 s0, s3;
	s0 =	sld [smem:$0x3FAA]  }
0x30: {  	s3 =	sld [smem:$0x3FAD]  }
0x31: {  	[smem:$0x3FB6] =	sst s10  }
0x32: {  	s10 =	sld [smem:$0x3FB4];
	_ =	sdelay $0x3  }
0x33: {  	p0 =	seq.s32 s10, $0x1;
	s10 =	sld [smem:$0x3FB6];
	_ =	sdelay $0x3  }
0x34: {  	[smem:$0x3FB6] =	sst s10  }
0x35: {  	s10 =	sld [smem:$0x3FB5];
	_ =	sdelay $0x3  }
0x36: {  	p1 =	seq.s32 s10, $0x1;
	s10 =	sld [smem:$0x3FB6];
	_ =	sdelay $0x3  }
0x37: {  	[smem:$0x3FB6] =	sst s10  }
0x38: {  	s10 =	sld [smem:$0x3FB7]  }
0x39: {  	_ = 	snop;
	(pc) =	sbr.ind lr, $3  }
0x3a: {  	_ = 	snop  }
0x3b: {  	_ = 	snop  }
0x3c: {  	p2 =	seq.s32 s10, $0x1;
	s10 =	sld [smem:$0x3FB6]  }
0x3d: {  	_ =	shalt  }
0x3e: {  	_ =	shalt  }
0x3f: {  	_ =	shalt  }
0x40: {  	_ =	shalt  }
0x41: {  	_ =	shalt  }
0x42: {  	_ =	shalt  }
0x43: {  	_ =	shalt  }
0x44: {  	_ =	shalt  }
0x45: {  	_ =	shalt  }
0x46: {  	_ =	shalt  }
0x47: {  	_ =	shalt  }
0x48: {  	_ =	shalt  }
0x49: {  	_ =	shalt  }
0x4a: {  	_ =	shalt  }
0x4b: {  	_ =	shalt  }
0x4c: {  	_ =	shalt  }
0x4d: {  	_ =	shalt  }
0x4e: {  	_ =	shalt  }
0x4f: {  	_ =	shalt  }
0x50: {  	_ =	shalt  }
0x51: {  	_ =	shalt  }
0x52: {  	_ =	shalt  }
0x53: {  	_ =	shalt  }
0x54: {  	_ =	shalt  }
0x55: {  	_ =	shalt  }
0x56: {  	_ =	shalt  }
0x57: {  	_ =	shalt  }
0x58: {  	_ =	shalt  }
0x59: {  	_ =	shalt  }
0x5a: {  	_ =	shalt  }
0x5b: {  	_ =	shalt  }
0x5c: {  	_ =	shalt  }
0x5d: {  	_ =	shalt  }
0x5e: {  	_ =	shalt  }
0x5f: {  	_ =	shalt  }
0x60: {  	_ =	shalt  }
0x61: {  	_ =	shalt  }
0x62: {  	_ =	shalt  }
0x63: {  	_ =	shalt  }
0x64: {  	_ =	shalt  }
0x65: {  	_ =	shalt  }
0x66: {  	_ =	shalt  }
0x67: {  	_ =	shalt  }
0x68: {  	_ =	shalt  }
0x69: {  	_ =	shalt  }
0x6a: {  	_ =	shalt  }
0x6b: {  	_ =	shalt  }
0x6c: {  	_ =	shalt  }
0x6d: {  	_ =	shalt  }
0x6e: {  	_ =	shalt  }
0x6f: {  	_ =	shalt  }
0x70: {  	_ =	shalt  }
0x71: {  	_ =	shalt  }
0x72: {  	_ =	shalt  }
0x73: {  	_ =	shalt  }
0x74: {  	_ =	shalt  }
0x75: {  	_ =	shalt  }
0x76: {  	_ =	shalt  }
0x77: {  	_ =	shalt  }
0x78: {  	_ =	shalt  }
0x79: {  	_ =	shalt  }
0x7a: {  	_ =	shalt  }
0x7b: {  	_ =	shalt  }
0x7c: {  	_ =	shalt  }
0x7d: {  	_ =	shalt  }
0x7e: {  	_ =	shalt  }
0x7f: {  	_ =	shalt  }
0x80: {  	_ =	shalt  }
0x81: {  	_ =	shalt  }
0x82: {  	_ =	shalt  }
0x83: {  	_ =	shalt  }
0x84: {  	_ =	shalt  }
0x85: {  	_ =	shalt  }
0x86: {  	_ =	shalt  }
0x87: {  	_ =	shalt  }
.Lfunc_end0:
.L_simem_size_0:
called_computation_lowered:
.L_overlay_start_0:
0x88: {  	s2 =	sld [smem:$0x3FD9]  }
0x89: {  	s3 =	sld [smem:$0x3FFE];
	_ =	sdelay $0x1  }
0x8a: {  	s1 =	srdreg.scid  }
0x8b: {  	s0 =	sand.u32 $0x1, s1  }
0x8c: {  	s17 =	sshll.u32 s0, $0xA;
	s2 =	sadd.s32 s3, s2  }
0x8d: {  	s2 =	sadd.s32 s2, s17  }
0x8e: {  	[smem:$0x3FC2] =	sst s2  }
0x8f: {  	_ = 	snop  }
0x90: {  	s2 =	sld [smem:$0x3FD0];
	(tm) =	ssettm $0x1  }
0x91: {  	s18 =	sld [smem:$0x3FFB];
	_ =	sdelay $0x3  }
0x92: {  	_ =	strace s18  }
0x93: {  	s3 =	sld [smem:$0x3FFC];
	_ =	sdelay $0x3  }
0x94: {  	_ =	strace s3  }
0x95: {  	s3 =	sld [smem:$0x3FFD];
	_ =	sdelay $0x3  }
0x96: {  	_ =	strace s3  }
0x97: {  	_ =	strace $0x8FFFFFFF  }
0x98: {  	s19 =	sld [smem:$0x3FDB];
	_ =	sdelay $0x1  }
0x99: {  	s4 =	simm.s32 $_scs_section_size  }
0x9a: {  	s5 =	simm.s32 $_size__tile_overlayer_lowered;
	s6 =	simm.s32 $_tile_overlayer_lowered  }
0x9b: {  	s22 =	simm.s32 $0x1BFF;
	s21 =	sshll.u32 s6, $0x1;
	s3 =	sadd.s32 s4, s19  }
0x9c: {  	s7 =	simm.s32 $0x0;
	s20 =	sshll.u32 s5, $0x1;
	s5 =	sadd.s32 s21, s3  }
0x9d: {  	[timem:s7], [sflag:s22] =	dma.local [hbm:s5], s20  }
0x9e: {  	_ =	swait.ge [sflag:s22], s20  }
0x9f: {  	s4 =	ssub.s32 $0x0, s20;
	[sflag:s22] =	ssyncset.done $0x0  }
0xa0: {  	[sflag:s22] =	ssyncadd.s32 s4;
	_ =	sdelay $0x1  }
0xa1: {  	s23 =	simm.s32 $0x1B8B  }
0xa2: {  	_ =	swait.ge [sflag:s23], $0x1  }
0xa3: {  	[sflag:s23] =	ssyncset.done $0x0  }
0xa4: {  	s25 =	simm.s32 $0x1B8E;
	s24 =	sld [smem:$0x3FFE];
	[sflag:s23] =	ssyncadd.s32 $0xFFFFFFFF  }
0xa5: {  	s26 =	simm.s32 $execute0_lowered;
	[smem:$0x3FD2] =	sst s25  }
0xa6: {  	s5 =	sshll.u32 s26, $0x1;
	_ =	strace $0x80000046;
	[dreg:$0x1] =	wrdreg $0xFFFFFFFF  }
0xa7: {  	s28 =	simm.s32 $_size_execute0_lowered;
	s3 =	sadd.s32 s3, s5;
	[dreg:$0x0] =	wrdreg $0x0  }
0xa8: {  	s5 =	sshll.u32 s28, $0x1;
	[dreg:$0x2] =	wrdreg s3  }
0xa9: {  	[dreg:$0x3] =	wrdreg s5  }
0xaa: {  	[dreg:$0x4] =	wrdreg $0xC0  }
0xab: {  	_ =	task [dreg:s7], $0x5FFFF  }
0xac: {  	[dreg:$0x1] =	wrdreg $0xFFFFFFFF  }
0xad: {  	[dreg:$0x0] =	wrdreg $0x60  }
0xae: {  	[dreg:$0x2] =	wrdreg s24  }
0xaf: {  	[dreg:$0x3] =	wrdreg s2  }
0xb0: {  	[dreg:$0x4] =	wrdreg $0x28800  }
0xb1: {  	[dreg:$0x5] =	wrdreg $0x9  }
0xb2: {  	_ =	task.clear_ibuf [dreg:s7], $0x6FFFF;
	_ =	strace $0x90000046  }
0xb3: {  	s29 =	simm.s32 $0x9;
	_ =	strace $0x80000048  }
0xb4: {  	_ =	swait.ge [sflag:s29], $0x1  }
0xb5: {  	[sflag:s29] =	ssyncadd.s32 $0xFFFFFFFF  }
0xb6: {  	_ =	strace $0x90000048  }
0xb7: {  	_ =	sfence  }
0xb8: {  	s30 =	sld [smem:$0x0];
	_ =	sdelay $0x2  }
0xb9: {  	s31 =	sshll.u32 s1, $0xD;
	s1 =	sshrl.u32 s1, $0x2  }
0xba: {  	s3 =	sand.u32 $0x4000, s31;
	s1 =	sadd.s32 s1, s30  }
0xbb: {  	s0 =	sor.u32 s3, s0;
	s1 =	sshll.u32 s1, $0x11  }
0xbc: {  	s0 =	sor.u32 s1, s0  }
0xbd: {  	s0 =	sadd.s32 $0x8F2B, s0  }
0xbe: {  	[sflag:s0] =	ssyncadd.remote.s32 $0x1  }
0xbf: {  	_ =	sfence.sel $0xFFFF  }
0xc0: {  	[dreg:$0x0] =	wrdreg $0xFFFFFFFF;
	(pc) =	sbr.abs _section_cstart, $3  }
0xc1: {  	[dreg:$0x1] =	wrdreg $0xFFFFFFFF  }
0xc2: {  	_ =	task.clear_ibuf [dreg:s7], $0x2FFFF;
	_ =	strace $0x9FFFFFFF  }
0xc3: {  	(tm) =	ssettm $0x7FFFFFFF  }
tec
execute0_lowered:
.L_overlay_start_1:
0x0: {  	(tag) =	ssettag $0x1  }
0x1: {  	s6 =	rddreg [dreg:$0x0]  }
0x2: {  	s8 =	rddreg [dreg:$0x1]  }
0x3: {  	s2 =	rddreg [dreg:$0x2]  }
0x4: {  	s0 =	rddreg [dreg:$0x3]  }
0x5: {  	s3 =	simm.s32 $0x0;
	s1 =	stileid.u32;
	s4 =	srdreg.scid  }
0x6: {  	s14 =	simm.s32 $0x20;
	s15 =	simm.s32 $0x10;
	s16 =	simm.s32 $0x0  }
0x7: {  	[smem:$0x7FF] =	sst s3;
	s5 =	smul.u32 $0x280, s1;
	s7 =	sand.u32 $0x1, s4  }
0x8: {  	s4 =	sadd.s32 $0x16600, s6;
	s13 =	smul.u32 $0x500, s1;
	s30 =	sshll.u32 s1, $0x6  }
0x9: {  	_ =	strace $0x80000047;
	s9 =	sshll.u32 s7, $0x4;
	s11 =	ssub.s32 $0x2, s7  }
0xa: {  	s7 =	sshll.u32 s7, $0x7;
	s10 =	sshrl.u32 s5, $0x3;
	s9 =	sor.u32 s1, s9  }
0xb: {  	s12 =	sshrl.u32 s11, $0x1;
	s29 =	sadd.s32 s5, s2;
	s13 =	sor.u32 s7, s13  }
0xc: {  	s10 =	sadd.s32 s10, s6;
	s9 =	smul.u32 $0x2800, s9;
	s11 =	ssub.s32 s11, s12  }
0xd: {  	s31 =	sshrl.u32 s13, $0x3;
	s12 =	simm.s32 $0x2800;
	s13 =	simm.s32 $0x7D  }
0xe: {  	s5 =	sadd.s32 $0x16000, s10;
	s8 =	sadd.s32 s8, s31;
	s9 =	sshrl.u32 s9, $0x3  }
0xf: {  	s10 =	sshrl.u32 s29, $0x3;
	s9 =	sadd.s32 s6, s9;
	s6 =	sor.u32 $0x1C01, s30  }
0x10: {  	s7 =	sadd.s32 $0xC000, s9;
	s9 =	smax.u32 s11, $0x1;
	s11 =	simm.s32 $0x1  }
.LBB2_1:
0x11: {  	[spmem:s10], [sflag:s6] =	dma.local [hbm:s5], $0x50  }
0x12: {  	_ =	swait.ge [sflag:s11], $0x50  }
0x13: {  	[sflag:s11] =	ssyncset.done $0x0  }
0x14: {  	[sflag:s11] =	ssyncadd.s32 $0xFFFFFFB0  }
0x15: {  	[tilespmem:s3], [sflag:$0x1] =	stream.linear.gather [hbm4b:s7+s3], $0x2800, $0x38;
	[tilespmem:$0x2B00] =	vst v63  }
0x16: {  	_ =	swait.ge [sflag:s11], $0x2800  }
0x17: {  	[sflag:s11] =	ssyncset.done $0x0  }
0x18: {  	[sflag:s11] =	ssyncadd.s32 $0xFFFFD800  }
0x19: {  	[tilespmem:s12], [sflag:$0x1] =	stream.linear.gather [hbm4b:s4+s3], $0x80, $0x38;
	[tilespmem:$0x2B00] =	vst v63  }
0x1a: {  	_ =	swait.ge [sflag:s11], $0x80  }
0x1b: {  	[sflag:s11] =	ssyncset.done $0x0  }
0x1c: {  	[sflag:s11] =	ssyncadd.s32 $0xFFFFFF80  }
0x1d: {  	s17 =	simm.s32 $0x0;
	[bflag:$0x0] =	sbarrier.arrive $0xFFFF  }
0x1e: {  	[spmem:s2] =	stream.indirect.scatter.add.f32 [tilespmem:s12], [sflag:$0x1], $0x1, s17, s13, $0xb8;
	[tilespmem:$0x2B00] =	vst v63  }
0x1f: {  	_ =	swait.ge [sflag:s11], $0x7D  }
0x20: {  	s17 =	simm.s32 $0x200;
	[sflag:s11] =	ssyncset.done $0x0  }
.LBB2_2:
0x21: {  	s18 =	sshra.s32 s17, $0x2;
	[sflag:s11] =	ssyncadd.s32 $0xFFFFFF83;
	p0 =	sne.s32 s17, $0x9E00  }
0x22: {  	[spmem:s2] =	stream.indirect.scatter.add.f32 [tilespmem:s12], [sflag:$0x1], $0x1, s18, s13, $0xb8;
	[tilespmem:$0x2B00] =	vst v63  }
.Ltmp0:
0x23: {  	_ = 	snop;
	(pc) =	sbr.rel @p0 .LBB2_2-.Ltmp0, $4  }
0x24: {  	_ = 	snop  }
0x25: {  	s17 =	sadd.s32 $0x200, s17  }
0x26: {  	_ =	swait.ge [sflag:s11], $0x7D  }
0x27: {  	[sflag:s11] =	ssyncset.done $0x0  }
0x28: {  	s16 =	sadd.s32 $0x1, s16  }
0x29: {  	[sflag:s11] =	ssyncadd.s32 $0xFFFFFF83;
	p0 =	sne.s32 s16, s9  }
.Ltmp1:
0x2a: {  	[bflag:$0x0] =	sbarrier.arrive $0xFFFF;
	(pc) =	sbr.rel @p0 .LBB2_1-.Ltmp1, $4  }
0x2b: {  	[hbm:s8@s14], [sflag:s6] =	dma.strided [spmem:s10@s15], $0x50, s11, $0x10   }
0x2c: {  	_ =	swait.ge [sflag:s11], $0x50  }
0x2d: {  	[sflag:s11] =	ssyncset.done $0x0  }
0x2e: {  	[sflag:s11] =	ssyncadd.s32 $0xFFFFFFB0  }
0x2f: {  	_ =	sfence.sel $0x180000  }
0x30: {  	[bflag:$0x0] =	sbarrier.arrive $0xFFFF  }
0x31: {  	p0 =	sne.s32 s1, $0x0;
	_ =	strace $0x90000047  }
0x32: {  	s0 =	sadd.s32 @!p0 $0x100000, s0;
	[bflag:$0x2] =	sbarrier.arrive $0xFFFF  }
0x33: {  	[sflag:s0] =	ssyncadd.tile.s32 @!p0 $0x1;
	_ =	shalt  }
.Lfunc_end2:
_tile_overlayer_lowered:
.L_overlay_start_2:
0x34: {  	(tag) =	ssettag $0x2  }
0x35: {  	s0 =	rddreg [dreg:$0x0];
	s2 =	stileid.u32  }
0x36: {  	s1 =	rddreg [dreg:$0x1];
	p0 =	sne.s32 s2, $0x0  }
0x37: {  	s3 =	rddreg [dreg:$0x2];
	[bflag:$0x3] =	sbarrier.arrive $0xFFFF;
	s2 =	simm.s32 @!p0 $0x1C01  }
0x38: {  	[timem:s3], [sflag:s2] =	dma.local @!p0 [hbm:s0], s1  }
0x39: {  	s0 =	simm.s32 @!p0 $0x1  }
0x3a: {  	_ =	swait.ge @!p0 [sflag:s0], s1  }
0x3b: {  	s1 =	ssub.s32 @!p0 $0x0, s1;
	[sflag:s0] =	ssyncset.done @!p0 $0x0  }
0x3c: {  	[sflag:s0] =	ssyncadd.s32 @!p0 s1  }
0x3d: {  	[bflag:$0x3] =	sbarrier.arrive $0xFFFF  }
0x3e: {  	_ =	shalt  }

</sc_bundles>
